<compile_context>
chip_gen: v7x
topology: tpu7x:2x2x1
jax: 0.10.2.dev20260603
libtpu: 0.0.44.dev20260713+nightly
codegen_flags: <defaults>
</compile_context>

<pallas_src>
import functools
import math

import jax
import jax.numpy as jnp
from jax import lax
from jax.experimental import pallas as pl
from jax.experimental.pallas import tpu as pltpu
from jax.experimental.pallas import tpu_sc as plsc

B_DIM = 16384
T_DIM = 50
D_MODEL = 64
DW = 128
NUM_TOKENS = B_DIM * T_DIM
VOCAB = 1_000_000
SCALE = math.sqrt(D_MODEL)

NC, NS = 2, 16
NW = NC * NS
TOK_PER_W = NUM_TOKENS // NW
SUB = 128
NBUF = 4
NCHUNK = TOK_PER_W // SUB
IDXROWS_W = NCHUNK

PREP_ROWS = 8000


def _prep_body(tbl_ref, out_ref):
    r0 = pl.program_id(0) * PREP_ROWS
    x = tbl_ref[...] * SCALE
    row = r0 + lax.broadcasted_iota(jnp.int32, x.shape, 0)
    x = jnp.where(row == 0, 0.0, x)
    out_ref[...] = jnp.concatenate(
        [x, jnp.zeros_like(x)], axis=1)


_prep_kernel = pl.pallas_call(
    _prep_body,
    grid=(VOCAB // PREP_ROWS,),
    in_specs=[pl.BlockSpec((PREP_ROWS, D_MODEL), lambda i: (i, 0))],
    out_specs=pl.BlockSpec((PREP_ROWS, DW), lambda i: (i, 0)),
    out_shape=jax.ShapeDtypeStruct((VOCAB, DW), jnp.float32),
)


def _gather_body(table_hbm, idx_hbm, out_hbm,
                 idx_all, rows0, rows1, rows2, rows3,
                 gsem0, gsem1, gsem2, gsem3, ssem0, ssem1, ssem2, ssem3):
    rows = (rows0, rows1, rows2, rows3)
    gsem = (gsem0, gsem1, gsem2, gsem3)
    ssem = (ssem0, ssem1, ssem2, ssem3)

    wid = lax.axis_index("s") * NC + lax.axis_index("c")
    base = wid * TOK_PER_W
    idx_row0 = wid * IDXROWS_W

    pltpu.sync_copy(idx_hbm.at[pl.ds(idx_row0, IDXROWS_W)], idx_all)

    def fire_gather(chunk, buf):
        pltpu.async_copy(
            table_hbm.at[idx_all.at[chunk]], rows[buf], gsem[buf])

    def wait_gather(buf):
        pltpu.make_async_copy(
            table_hbm.at[idx_all.at[0]], rows[buf], gsem[buf]).wait()

    def fire_store(chunk, buf):
        pltpu.async_copy(
            rows[buf], out_hbm.at[pl.ds(base + chunk * SUB, SUB)], ssem[buf])

    def wait_store(buf):
        pltpu.make_async_copy(
            rows[buf], out_hbm.at[pl.ds(base, SUB)], ssem[buf]).wait()

    for k in range(NBUF - 1):
        fire_gather(k, k)

    @pl.loop(0, NCHUNK, step=NBUF)
    def _pipeline(c):
        for b in range(NBUF):
            cc = c + b
            nb = (b + NBUF - 1) % NBUF

            @pl.when(cc >= 1)
            def _():
                wait_store(nb)

            nxt = jnp.minimum(cc + NBUF - 1, NCHUNK - 1)
            fire_gather(nxt, nb)

            wait_gather(b)
            fire_store(cc, b)

    wait_store((NCHUNK - 1) % NBUF)
    for k in range(NBUF - 1):
        wait_gather((NCHUNK + k) % NBUF)


_gather_kernel = functools.partial(
    pl.kernel,
    mesh=plsc.VectorSubcoreMesh(core_axis_name="c", subcore_axis_name="s"),
    out_type=jax.ShapeDtypeStruct((NUM_TOKENS, DW), jnp.float32),
    compiler_params=pltpu.CompilerParams(use_tc_tiling_on_sc=True),
    scratch_types=[
        pltpu.VMEM((IDXROWS_W, SUB), jnp.int32),
        pltpu.VMEM((SUB, DW), jnp.float32),
        pltpu.VMEM((SUB, DW), jnp.float32),
        pltpu.VMEM((SUB, DW), jnp.float32),
        pltpu.VMEM((SUB, DW), jnp.float32),
        pltpu.SemaphoreType.DMA,
        pltpu.SemaphoreType.DMA,
        pltpu.SemaphoreType.DMA,
        pltpu.SemaphoreType.DMA,
        pltpu.SemaphoreType.DMA,
        pltpu.SemaphoreType.DMA,
        pltpu.SemaphoreType.DMA,
        pltpu.SemaphoreType.DMA,
    ],
)(_gather_body)


def kernel(inputs, table):
    table128 = _prep_kernel(table)
    idx2d = inputs.astype(jnp.int32).reshape(NUM_TOKENS // SUB, SUB)
    raw = _gather_kernel(table128, idx2d)
    return raw[:, :D_MODEL].reshape(B_DIM, T_DIM, D_MODEL)

# --- scband reference (transcript-rebuilt; emitter-appended) ---
"""Pipeline reference for scband-embedding-12017318494826 (READ-ONLY COPY).

The authoritative reference and input builder live on the scoring server;
editing this copy changes nothing except your own understanding.
"""

import math
import jax, jax.numpy as jnp
import numpy as np

NUM_EMBEDDINGS = 1000000
PAD_ID = 0
D_MODEL = 64


def setup_inputs(seed: int = 0) -> dict:
    key = jax.random.key(seed)
    k_idx, k_tab = jax.random.split(key)
    inputs = jax.random.randint(k_idx, (16384, 50), 0, NUM_EMBEDDINGS, dtype=jnp.int64 if jax.config.jax_enable_x64 else jnp.int32)
    table = jax.random.normal(k_tab, (NUM_EMBEDDINGS, D_MODEL), dtype=jnp.float32)
    return {"inputs": inputs, "table": table}


def reference(inputs, table):
    # nn.Embedding with padding_idx: the pad row is zero
    table = table.at[PAD_ID].set(0.0)
    emb = jnp.take(table, inputs, axis=0)
    return emb * math.sqrt(D_MODEL)

if __name__ == "__main__":
    import jax
    _d = setup_inputs()
    print(jax.jit(kernel)(*tuple(_d.values())))

</pallas_src>

<mosaic_0001>
#map = affine_map<(d0, d1) -> (0, 0)>
module attributes {stable_mosaic.version = 14 : i64} {
  func.func @_gather_body(%arg0: i32, %arg1: i32, %arg2: memref<1000000x128xf32, #tpu.memory_space<hbm>>, %arg3: memref<6400x128xi32, #tpu.memory_space<hbm>>, %arg4: memref<819200x128xf32, #tpu.memory_space<hbm>>, %arg5: memref<200x128xi32, #tpu.memory_space<vmem>>, %arg6: memref<128x128xf32, #tpu.memory_space<vmem>>, %arg7: memref<128x128xf32, #tpu.memory_space<vmem>>, %arg8: memref<128x128xf32, #tpu.memory_space<vmem>>, %arg9: memref<128x128xf32, #tpu.memory_space<vmem>>, %arg10: memref<!tpu.dma_semaphore, #tpu.memory_space<semaphore_mem>>, %arg11: memref<!tpu.dma_semaphore, #tpu.memory_space<semaphore_mem>>, %arg12: memref<!tpu.dma_semaphore, #tpu.memory_space<semaphore_mem>>, %arg13: memref<!tpu.dma_semaphore, #tpu.memory_space<semaphore_mem>>, %arg14: memref<!tpu.dma_semaphore, #tpu.memory_space<semaphore_mem>>, %arg15: memref<!tpu.dma_semaphore, #tpu.memory_space<semaphore_mem>>, %arg16: memref<!tpu.dma_semaphore, #tpu.memory_space<semaphore_mem>>, %arg17: memref<!tpu.dma_semaphore, #tpu.memory_space<semaphore_mem>>) attributes {dimension_semantics = [#tpu.dimension_semantics<core_parallel>, #tpu.dimension_semantics<subcore_parallel>], iteration_bounds = array<i64: 2, 16>, scalar_prefetch = 0 : i64, scratch_operands = 13 : i64, tpu.core_type = #tpu.core_type<sc_vector_subcore>, window_params = [{transform_indices = #map}, {transform_indices = #map}, {transform_indices = #map}]} {
    %mul3A = arith.constant 2 : i32
    %mul3A_0 = arith.muli %arg1, %mul3A : i32
    %add3A = arith.addi %mul3A_0, %arg0 : i32
    %mul3A_1 = arith.constant 25600 : i32
    %mul3A_2 = arith.muli %add3A, %mul3A_1 : i32
    %mul3A_3 = arith.constant 200 : i32
    %mul3A_4 = arith.muli %add3A, %mul3A_3 : i32
    "tpu.region"() ({
      %run_scoped3A = tpu.sem_alloc : memref<!tpu.dma_semaphore, #tpu.memory_space<semaphore_mem>>
      %dma_start3A_53 = arith.constant 0 : i32
      %dma_start3A_54 = tpu.memref_slice %arg3[%mul3A_4, %dma_start3A_53] : memref<6400x128xi32, #tpu.memory_space<hbm>> -> memref<200x128xi32, #tpu.memory_space<hbm>>
      %dma_start3A_55 = arith.constant 0 : i32
      %dma_start3A_56 = tpu.memref_slice %arg3[%mul3A_4, %dma_start3A_55] : memref<6400x128xi32, #tpu.memory_space<hbm>> -> memref<200x128xi32, #tpu.memory_space<hbm>>
      tpu.enqueue_dma source(%dma_start3A_56 : memref<200x128xi32, #tpu.memory_space<hbm>>) target(%arg5 : memref<200x128xi32, #tpu.memory_space<vmem>>) target_semaphore(%run_scoped3A : memref<!tpu.dma_semaphore, #tpu.memory_space<semaphore_mem>>)
      %dma_wait3A_57 = arith.constant 0 : i32
      %dma_wait3A_58 = tpu.memref_slice %arg3[%mul3A_4, %dma_wait3A_57] : memref<6400x128xi32, #tpu.memory_space<hbm>> -> memref<200x128xi32, #tpu.memory_space<hbm>>
      %dma_wait3A_59 = arith.constant 0 : i32
      %dma_wait3A_60 = tpu.memref_slice %arg3[%mul3A_4, %dma_wait3A_59] : memref<6400x128xi32, #tpu.memory_space<hbm>> -> memref<200x128xi32, #tpu.memory_space<hbm>>
      tpu.wait_dma2 semaphore(%run_scoped3A : memref<!tpu.dma_semaphore, #tpu.memory_space<semaphore_mem>>) src(%dma_wait3A_60 : memref<200x128xi32, #tpu.memory_space<hbm>>) dst(%arg5 : memref<200x128xi32, #tpu.memory_space<vmem>>)
      tpu.yield
    }) : () -> ()
    %dma_start3A = arith.constant 0 : i32
    %dma_start3A_5 = arith.constant 0 : i32
    %dma_start3A_6 = tpu.memref_slice %arg5[%dma_start3A, %dma_start3A_5] : memref<200x128xi32, #tpu.memory_space<vmem>> -> memref<1x128xi32, #tpu.memory_space<vmem>>
    %dma_start3A_7 = tpu.memref_squeeze %dma_start3A_6 : memref<1x128xi32, #tpu.memory_space<vmem>> -> memref<128xi32, #tpu.memory_space<vmem>>
    %dma_start3A_8 = arith.constant 0 : i32
    %dma_start3A_9 = arith.constant 0 : i32
    %dma_start3A_10 = tpu.memref_slice %arg2[%dma_start3A_8, %dma_start3A_9] : memref<1000000x128xf32, #tpu.memory_space<hbm>> -> memref<1000000x128xf32, #tpu.memory_space<hbm>>
    tpu.enqueue_indirect_dma source(%dma_start3A_10 : memref<1000000x128xf32, #tpu.memory_space<hbm>>) target(%arg6 : memref<128x128xf32, #tpu.memory_space<vmem>>) offsets(%dma_start3A_7 : memref<128xi32, #tpu.memory_space<vmem>>) semaphore(%arg10 : memref<!tpu.dma_semaphore, #tpu.memory_space<semaphore_mem>>)
    %dma_start3A_11 = arith.constant 1 : i32
    %dma_start3A_12 = arith.constant 0 : i32
    %dma_start3A_13 = tpu.memref_slice %arg5[%dma_start3A_11, %dma_start3A_12] : memref<200x128xi32, #tpu.memory_space<vmem>> -> memref<1x128xi32, #tpu.memory_space<vmem>>
    %dma_start3A_14 = tpu.memref_squeeze %dma_start3A_13 : memref<1x128xi32, #tpu.memory_space<vmem>> -> memref<128xi32, #tpu.memory_space<vmem>>
    %dma_start3A_15 = arith.constant 0 : i32
    %dma_start3A_16 = arith.constant 0 : i32
    %dma_start3A_17 = tpu.memref_slice %arg2[%dma_start3A_15, %dma_start3A_16] : memref<1000000x128xf32, #tpu.memory_space<hbm>> -> memref<1000000x128xf32, #tpu.memory_space<hbm>>
    tpu.enqueue_indirect_dma source(%dma_start3A_17 : memref<1000000x128xf32, #tpu.memory_space<hbm>>) target(%arg7 : memref<128x128xf32, #tpu.memory_space<vmem>>) offsets(%dma_start3A_14 : memref<128xi32, #tpu.memory_space<vmem>>) semaphore(%arg11 : memref<!tpu.dma_semaphore, #tpu.memory_space<semaphore_mem>>)
    %dma_start3A_18 = arith.constant 2 : i32
    %dma_start3A_19 = arith.constant 0 : i32
    %dma_start3A_20 = tpu.memref_slice %arg5[%dma_start3A_18, %dma_start3A_19] : memref<200x128xi32, #tpu.memory_space<vmem>> -> memref<1x128xi32, #tpu.memory_space<vmem>>
    %dma_start3A_21 = tpu.memref_squeeze %dma_start3A_20 : memref<1x128xi32, #tpu.memory_space<vmem>> -> memref<128xi32, #tpu.memory_space<vmem>>
    %dma_start3A_22 = arith.constant 0 : i32
    %dma_start3A_23 = arith.constant 0 : i32
    %dma_start3A_24 = tpu.memref_slice %arg2[%dma_start3A_22, %dma_start3A_23] : memref<1000000x128xf32, #tpu.memory_space<hbm>> -> memref<1000000x128xf32, #tpu.memory_space<hbm>>
    tpu.enqueue_indirect_dma source(%dma_start3A_24 : memref<1000000x128xf32, #tpu.memory_space<hbm>>) target(%arg8 : memref<128x128xf32, #tpu.memory_space<vmem>>) offsets(%dma_start3A_21 : memref<128xi32, #tpu.memory_space<vmem>>) semaphore(%arg12 : memref<!tpu.dma_semaphore, #tpu.memory_space<semaphore_mem>>)
    %scan3A = arith.constant 0 : i32
    %scan3A_25 = arith.constant 50 : i32
    %scan3A_26 = arith.addi %scan3A, %scan3A_25 : i32
    %scan3A_27 = arith.constant 1 : i32
    scf.for %scan3A_53 = %scan3A to %scan3A_26 step %scan3A_27  : i32 {
      %mul3A_54 = arith.constant 4 : i32
      %mul3A_55 = arith.muli %scan3A_53, %mul3A_54 : i32
      %add3A_56 = arith.constant 0 : i32
      %add3A_57 = arith.addi %add3A_56, %mul3A_55 : i32
      %add3A_58 = arith.constant 0 : i32
      %add3A_59 = arith.addi %add3A_57, %add3A_58 : i32
      %ge3A = arith.constant 1 : i32
      %ge3A_60 = arith.cmpi sge, %add3A_59, %ge3A : i32
      %convert_element_type3A = arith.extui %ge3A_60 : i1 to i32
      %cond3A = arith.constant 0 : i32
      %cond3A_61 = arith.cmpi ne, %convert_element_type3A, %cond3A : i32
      scf.if %cond3A_61 {
        %dma_wait3A_185 = arith.constant 0 : i32
        %dma_wait3A_186 = tpu.memref_slice %arg4[%mul3A_2, %dma_wait3A_185] : memref<819200x128xf32, #tpu.memory_space<hbm>> -> memref<128x128xf32, #tpu.memory_space<hbm>>
        %dma_wait3A_187 = arith.constant 0 : i32
        %dma_wait3A_188 = tpu.memref_slice %arg4[%mul3A_2, %dma_wait3A_187] : memref<819200x128xf32, #tpu.memory_space<hbm>> -> memref<128x128xf32, #tpu.memory_space<hbm>>
        tpu.wait_dma2 semaphore(%arg17 : memref<!tpu.dma_semaphore, #tpu.memory_space<semaphore_mem>>) src(%arg9 : memref<128x128xf32, #tpu.memory_space<vmem>>) dst(%dma_wait3A_188 : memref<128x128xf32, #tpu.memory_space<hbm>>)
      } else {
      }
      %add3A_62 = arith.constant 4 : i32
      %add3A_63 = arith.addi %add3A_59, %add3A_62 : i32
      %sub3A = arith.constant 1 : i32
      %sub3A_64 = arith.subi %add3A_63, %sub3A : i32
      %min3A = arith.constant 199 : i32
      %min3A_65 = arith.minsi %sub3A_64, %min3A : i32
      %dma_start3A_66 = arith.constant 0 : i32
      %dma_start3A_67 = tpu.memref_slice %arg5[%min3A_65, %dma_start3A_66] : memref<200x128xi32, #tpu.memory_space<vmem>> -> memref<1x128xi32, #tpu.memory_space<vmem>>
      %dma_start3A_68 = tpu.memref_squeeze %dma_start3A_67 : memref<1x128xi32, #tpu.memory_space<vmem>> -> memref<128xi32, #tpu.memory_space<vmem>>
      %dma_start3A_69 = arith.constant 0 : i32
      %dma_start3A_70 = arith.constant 0 : i32
      %dma_start3A_71 = tpu.memref_slice %arg2[%dma_start3A_69, %dma_start3A_70] : memref<1000000x128xf32, #tpu.memory_space<hbm>> -> memref<1000000x128xf32, #tpu.memory_space<hbm>>
      tpu.enqueue_indirect_dma source(%dma_start3A_71 : memref<1000000x128xf32, #tpu.memory_space<hbm>>) target(%arg9 : memref<128x128xf32, #tpu.memory_space<vmem>>) offsets(%dma_start3A_68 : memref<128xi32, #tpu.memory_space<vmem>>) semaphore(%arg13 : memref<!tpu.dma_semaphore, #tpu.memory_space<semaphore_mem>>)
      %dma_wait3A_72 = arith.constant 0 : i32
      %dma_wait3A_73 = arith.constant 0 : i32
      %dma_wait3A_74 = tpu.memref_slice %arg5[%dma_wait3A_72, %dma_wait3A_73] : memref<200x128xi32, #tpu.memory_space<vmem>> -> memref<1x128xi32, #tpu.memory_space<vmem>>
      %dma_wait3A_75 = tpu.memref_squeeze %dma_wait3A_74 : memref<1x128xi32, #tpu.memory_space<vmem>> -> memref<128xi32, #tpu.memory_space<vmem>>
      %dma_wait3A_76 = arith.constant 0 : i32
      %dma_wait3A_77 = arith.constant 0 : i32
      %dma_wait3A_78 = tpu.memref_slice %arg2[%dma_wait3A_76, %dma_wait3A_77] : memref<1000000x128xf32, #tpu.memory_space<hbm>> -> memref<1000000x128xf32, #tpu.memory_space<hbm>>
      tpu.wait_indirect_dma semaphore(%arg10 : memref<!tpu.dma_semaphore, #tpu.memory_space<semaphore_mem>>) src(%dma_wait3A_78 : memref<1000000x128xf32, #tpu.memory_space<hbm>>) dst(%arg6 : memref<128x128xf32, #tpu.memory_space<vmem>>)
      %mul3A_79 = arith.constant 128 : i32
      %mul3A_80 = arith.muli %add3A_59, %mul3A_79 : i32
      %add3A_81 = arith.addi %mul3A_2, %mul3A_80 : i32
      %dma_start3A_82 = arith.constant 0 : i32
      %dma_start3A_83 = tpu.memref_slice %arg4[%add3A_81, %dma_start3A_82] : memref<819200x128xf32, #tpu.memory_space<hbm>> -> memref<128x128xf32, #tpu.memory_space<hbm>>
      %dma_start3A_84 = arith.constant 0 : i32
      %dma_start3A_85 = tpu.memref_slice %arg4[%add3A_81, %dma_start3A_84] : memref<819200x128xf32, #tpu.memory_space<hbm>> -> memref<128x128xf32, #tpu.memory_space<hbm>>
      tpu.enqueue_dma source(%arg6 : memref<128x128xf32, #tpu.memory_space<vmem>>) target(%dma_start3A_85 : memref<128x128xf32, #tpu.memory_space<hbm>>) target_semaphore(%arg14 : memref<!tpu.dma_semaphore, #tpu.memory_space<semaphore_mem>>)
      %add3A_86 = arith.constant 1 : i32
      %add3A_87 = arith.addi %add3A_57, %add3A_86 : i32
      %ge3A_88 = arith.constant 1 : i32
      %ge3A_89 = arith.cmpi sge, %add3A_87, %ge3A_88 : i32
      %convert_element_type3A_90 = arith.extui %ge3A_89 : i1 to i32
      %cond3A_91 = arith.constant 0 : i32
      %cond3A_92 = arith.cmpi ne, %convert_element_type3A_90, %cond3A_91 : i32
      scf.if %cond3A_92 {
        %dma_wait3A_185 = arith.constant 0 : i32
        %dma_wait3A_186 = tpu.memref_slice %arg4[%mul3A_2, %dma_wait3A_185] : memref<819200x128xf32, #tpu.memory_space<hbm>> -> memref<128x128xf32, #tpu.memory_space<hbm>>
        %dma_wait3A_187 = arith.constant 0 : i32
        %dma_wait3A_188 = tpu.memref_slice %arg4[%mul3A_2, %dma_wait3A_187] : memref<819200x128xf32, #tpu.memory_space<hbm>> -> memref<128x128xf32, #tpu.memory_space<hbm>>
        tpu.wait_dma2 semaphore(%arg14 : memref<!tpu.dma_semaphore, #tpu.memory_space<semaphore_mem>>) src(%arg6 : memref<128x128xf32, #tpu.memory_space<vmem>>) dst(%dma_wait3A_188 : memref<128x128xf32, #tpu.memory_space<hbm>>)
      } else {
      }
      %add3A_93 = arith.constant 4 : i32
      %add3A_94 = arith.addi %add3A_87, %add3A_93 : i32
      %sub3A_95 = arith.constant 1 : i32
      %sub3A_96 = arith.subi %add3A_94, %sub3A_95 : i32
      %min3A_97 = arith.constant 199 : i32
      %min3A_98 = arith.minsi %sub3A_96, %min3A_97 : i32
      %dma_start3A_99 = arith.constant 0 : i32
      %dma_start3A_100 = tpu.memref_slice %arg5[%min3A_98, %dma_start3A_99] : memref<200x128xi32, #tpu.memory_space<vmem>> -> memref<1x128xi32, #tpu.memory_space<vmem>>
      %dma_start3A_101 = tpu.memref_squeeze %dma_start3A_100 : memref<1x128xi32, #tpu.memory_space<vmem>> -> memref<128xi32, #tpu.memory_space<vmem>>
      %dma_start3A_102 = arith.constant 0 : i32
      %dma_start3A_103 = arith.constant 0 : i32
      %dma_start3A_104 = tpu.memref_slice %arg2[%dma_start3A_102, %dma_start3A_103] : memref<1000000x128xf32, #tpu.memory_space<hbm>> -> memref<1000000x128xf32, #tpu.memory_space<hbm>>
      tpu.enqueue_indirect_dma source(%dma_start3A_104 : memref<1000000x128xf32, #tpu.memory_space<hbm>>) target(%arg6 : memref<128x128xf32, #tpu.memory_space<vmem>>) offsets(%dma_start3A_101 : memref<128xi32, #tpu.memory_space<vmem>>) semaphore(%arg10 : memref<!tpu.dma_semaphore, #tpu.memory_space<semaphore_mem>>)
      %dma_wait3A_105 = arith.constant 0 : i32
      %dma_wait3A_106 = arith.constant 0 : i32
      %dma_wait3A_107 = tpu.memref_slice %arg5[%dma_wait3A_105, %dma_wait3A_106] : memref<200x128xi32, #tpu.memory_space<vmem>> -> memref<1x128xi32, #tpu.memory_space<vmem>>
      %dma_wait3A_108 = tpu.memref_squeeze %dma_wait3A_107 : memref<1x128xi32, #tpu.memory_space<vmem>> -> memref<128xi32, #tpu.memory_space<vmem>>
      %dma_wait3A_109 = arith.constant 0 : i32
      %dma_wait3A_110 = arith.constant 0 : i32
      %dma_wait3A_111 = tpu.memref_slice %arg2[%dma_wait3A_109, %dma_wait3A_110] : memref<1000000x128xf32, #tpu.memory_space<hbm>> -> memref<1000000x128xf32, #tpu.memory_space<hbm>>
      tpu.wait_indirect_dma semaphore(%arg11 : memref<!tpu.dma_semaphore, #tpu.memory_space<semaphore_mem>>) src(%dma_wait3A_111 : memref<1000000x128xf32, #tpu.memory_space<hbm>>) dst(%arg7 : memref<128x128xf32, #tpu.memory_space<vmem>>)
      %mul3A_112 = arith.constant 128 : i32
      %mul3A_113 = arith.muli %add3A_87, %mul3A_112 : i32
      %add3A_114 = arith.addi %mul3A_2, %mul3A_113 : i32
      %dma_start3A_115 = arith.constant 0 : i32
      %dma_start3A_116 = tpu.memref_slice %arg4[%add3A_114, %dma_start3A_115] : memref<819200x128xf32, #tpu.memory_space<hbm>> -> memref<128x128xf32, #tpu.memory_space<hbm>>
      %dma_start3A_117 = arith.constant 0 : i32
      %dma_start3A_118 = tpu.memref_slice %arg4[%add3A_114, %dma_start3A_117] : memref<819200x128xf32, #tpu.memory_space<hbm>> -> memref<128x128xf32, #tpu.memory_space<hbm>>
      tpu.enqueue_dma source(%arg7 : memref<128x128xf32, #tpu.memory_space<vmem>>) target(%dma_start3A_118 : memref<128x128xf32, #tpu.memory_space<hbm>>) target_semaphore(%arg15 : memref<!tpu.dma_semaphore, #tpu.memory_space<semaphore_mem>>)
      %add3A_119 = arith.constant 2 : i32
      %add3A_120 = arith.addi %add3A_57, %add3A_119 : i32
      %ge3A_121 = arith.constant 1 : i32
      %ge3A_122 = arith.cmpi sge, %add3A_120, %ge3A_121 : i32
      %convert_element_type3A_123 = arith.extui %ge3A_122 : i1 to i32
      %cond3A_124 = arith.constant 0 : i32
      %cond3A_125 = arith.cmpi ne, %convert_element_type3A_123, %cond3A_124 : i32
      scf.if %cond3A_125 {
        %dma_wait3A_185 = arith.constant 0 : i32
        %dma_wait3A_186 = tpu.memref_slice %arg4[%mul3A_2, %dma_wait3A_185] : memref<819200x128xf32, #tpu.memory_space<hbm>> -> memref<128x128xf32, #tpu.memory_space<hbm>>
        %dma_wait3A_187 = arith.constant 0 : i32
        %dma_wait3A_188 = tpu.memref_slice %arg4[%mul3A_2, %dma_wait3A_187] : memref<819200x128xf32, #tpu.memory_space<hbm>> -> memref<128x128xf32, #tpu.memory_space<hbm>>
        tpu.wait_dma2 semaphore(%arg15 : memref<!tpu.dma_semaphore, #tpu.memory_space<semaphore_mem>>) src(%arg7 : memref<128x128xf32, #tpu.memory_space<vmem>>) dst(%dma_wait3A_188 : memref<128x128xf32, #tpu.memory_space<hbm>>)
      } else {
      }
      %add3A_126 = arith.constant 4 : i32
      %add3A_127 = arith.addi %add3A_120, %add3A_126 : i32
      %sub3A_128 = arith.constant 1 : i32
      %sub3A_129 = arith.subi %add3A_127, %sub3A_128 : i32
      %min3A_130 = arith.constant 199 : i32
      %min3A_131 = arith.minsi %sub3A_129, %min3A_130 : i32
      %dma_start3A_132 = arith.constant 0 : i32
      %dma_start3A_133 = tpu.memref_slice %arg5[%min3A_131, %dma_start3A_132] : memref<200x128xi32, #tpu.memory_space<vmem>> -> memref<1x128xi32, #tpu.memory_space<vmem>>
      %dma_start3A_134 = tpu.memref_squeeze %dma_start3A_133 : memref<1x128xi32, #tpu.memory_space<vmem>> -> memref<128xi32, #tpu.memory_space<vmem>>
      %dma_start3A_135 = arith.constant 0 : i32
      %dma_start3A_136 = arith.constant 0 : i32
      %dma_start3A_137 = tpu.memref_slice %arg2[%dma_start3A_135, %dma_start3A_136] : memref<1000000x128xf32, #tpu.memory_space<hbm>> -> memref<1000000x128xf32, #tpu.memory_space<hbm>>
      tpu.enqueue_indirect_dma source(%dma_start3A_137 : memref<1000000x128xf32, #tpu.memory_space<hbm>>) target(%arg7 : memref<128x128xf32, #tpu.memory_space<vmem>>) offsets(%dma_start3A_134 : memref<128xi32, #tpu.memory_space<vmem>>) semaphore(%arg11 : memref<!tpu.dma_semaphore, #tpu.memory_space<semaphore_mem>>)
      %dma_wait3A_138 = arith.constant 0 : i32
      %dma_wait3A_139 = arith.constant 0 : i32
      %dma_wait3A_140 = tpu.memref_slice %arg5[%dma_wait3A_138, %dma_wait3A_139] : memref<200x128xi32, #tpu.memory_space<vmem>> -> memref<1x128xi32, #tpu.memory_space<vmem>>
      %dma_wait3A_141 = tpu.memref_squeeze %dma_wait3A_140 : memref<1x128xi32, #tpu.memory_space<vmem>> -> memref<128xi32, #tpu.memory_space<vmem>>
      %dma_wait3A_142 = arith.constant 0 : i32
      %dma_wait3A_143 = arith.constant 0 : i32
      %dma_wait3A_144 = tpu.memref_slice %arg2[%dma_wait3A_142, %dma_wait3A_143] : memref<1000000x128xf32, #tpu.memory_space<hbm>> -> memref<1000000x128xf32, #tpu.memory_space<hbm>>
      tpu.wait_indirect_dma semaphore(%arg12 : memref<!tpu.dma_semaphore, #tpu.memory_space<semaphore_mem>>) src(%dma_wait3A_144 : memref<1000000x128xf32, #tpu.memory_space<hbm>>) dst(%arg8 : memref<128x128xf32, #tpu.memory_space<vmem>>)
      %mul3A_145 = arith.constant 128 : i32
      %mul3A_146 = arith.muli %add3A_120, %mul3A_145 : i32
      %add3A_147 = arith.addi %mul3A_2, %mul3A_146 : i32
      %dma_start3A_148 = arith.constant 0 : i32
      %dma_start3A_149 = tpu.memref_slice %arg4[%add3A_147, %dma_start3A_148] : memref<819200x128xf32, #tpu.memory_space<hbm>> -> memref<128x128xf32, #tpu.memory_space<hbm>>
      %dma_start3A_150 = arith.constant 0 : i32
      %dma_start3A_151 = tpu.memref_slice %arg4[%add3A_147, %dma_start3A_150] : memref<819200x128xf32, #tpu.memory_space<hbm>> -> memref<128x128xf32, #tpu.memory_space<hbm>>
      tpu.enqueue_dma source(%arg8 : memref<128x128xf32, #tpu.memory_space<vmem>>) target(%dma_start3A_151 : memref<128x128xf32, #tpu.memory_space<hbm>>) target_semaphore(%arg16 : memref<!tpu.dma_semaphore, #tpu.memory_space<semaphore_mem>>)
      %add3A_152 = arith.constant 3 : i32
      %add3A_153 = arith.addi %add3A_57, %add3A_152 : i32
      %ge3A_154 = arith.constant 1 : i32
      %ge3A_155 = arith.cmpi sge, %add3A_153, %ge3A_154 : i32
      %convert_element_type3A_156 = arith.extui %ge3A_155 : i1 to i32
      %cond3A_157 = arith.constant 0 : i32
      %cond3A_158 = arith.cmpi ne, %convert_element_type3A_156, %cond3A_157 : i32
      scf.if %cond3A_158 {
        %dma_wait3A_185 = arith.constant 0 : i32
        %dma_wait3A_186 = tpu.memref_slice %arg4[%mul3A_2, %dma_wait3A_185] : memref<819200x128xf32, #tpu.memory_space<hbm>> -> memref<128x128xf32, #tpu.memory_space<hbm>>
        %dma_wait3A_187 = arith.constant 0 : i32
        %dma_wait3A_188 = tpu.memref_slice %arg4[%mul3A_2, %dma_wait3A_187] : memref<819200x128xf32, #tpu.memory_space<hbm>> -> memref<128x128xf32, #tpu.memory_space<hbm>>
        tpu.wait_dma2 semaphore(%arg16 : memref<!tpu.dma_semaphore, #tpu.memory_space<semaphore_mem>>) src(%arg8 : memref<128x128xf32, #tpu.memory_space<vmem>>) dst(%dma_wait3A_188 : memref<128x128xf32, #tpu.memory_space<hbm>>)
      } else {
      }
      %add3A_159 = arith.constant 4 : i32
      %add3A_160 = arith.addi %add3A_153, %add3A_159 : i32
      %sub3A_161 = arith.constant 1 : i32
      %sub3A_162 = arith.subi %add3A_160, %sub3A_161 : i32
      %min3A_163 = arith.constant 199 : i32
      %min3A_164 = arith.minsi %sub3A_162, %min3A_163 : i32
      %dma_start3A_165 = arith.constant 0 : i32
      %dma_start3A_166 = tpu.memref_slice %arg5[%min3A_164, %dma_start3A_165] : memref<200x128xi32, #tpu.memory_space<vmem>> -> memref<1x128xi32, #tpu.memory_space<vmem>>
      %dma_start3A_167 = tpu.memref_squeeze %dma_start3A_166 : memref<1x128xi32, #tpu.memory_space<vmem>> -> memref<128xi32, #tpu.memory_space<vmem>>
      %dma_start3A_168 = arith.constant 0 : i32
      %dma_start3A_169 = arith.constant 0 : i32
      %dma_start3A_170 = tpu.memref_slice %arg2[%dma_start3A_168, %dma_start3A_169] : memref<1000000x128xf32, #tpu.memory_space<hbm>> -> memref<1000000x128xf32, #tpu.memory_space<hbm>>
      tpu.enqueue_indirect_dma source(%dma_start3A_170 : memref<1000000x128xf32, #tpu.memory_space<hbm>>) target(%arg8 : memref<128x128xf32, #tpu.memory_space<vmem>>) offsets(%dma_start3A_167 : memref<128xi32, #tpu.memory_space<vmem>>) semaphore(%arg12 : memref<!tpu.dma_semaphore, #tpu.memory_space<semaphore_mem>>)
      %dma_wait3A_171 = arith.constant 0 : i32
      %dma_wait3A_172 = arith.constant 0 : i32
      %dma_wait3A_173 = tpu.memref_slice %arg5[%dma_wait3A_171, %dma_wait3A_172] : memref<200x128xi32, #tpu.memory_space<vmem>> -> memref<1x128xi32, #tpu.memory_space<vmem>>
      %dma_wait3A_174 = tpu.memref_squeeze %dma_wait3A_173 : memref<1x128xi32, #tpu.memory_space<vmem>> -> memref<128xi32, #tpu.memory_space<vmem>>
      %dma_wait3A_175 = arith.constant 0 : i32
      %dma_wait3A_176 = arith.constant 0 : i32
      %dma_wait3A_177 = tpu.memref_slice %arg2[%dma_wait3A_175, %dma_wait3A_176] : memref<1000000x128xf32, #tpu.memory_space<hbm>> -> memref<1000000x128xf32, #tpu.memory_space<hbm>>
      tpu.wait_indirect_dma semaphore(%arg13 : memref<!tpu.dma_semaphore, #tpu.memory_space<semaphore_mem>>) src(%dma_wait3A_177 : memref<1000000x128xf32, #tpu.memory_space<hbm>>) dst(%arg9 : memref<128x128xf32, #tpu.memory_space<vmem>>)
      %mul3A_178 = arith.constant 128 : i32
      %mul3A_179 = arith.muli %add3A_153, %mul3A_178 : i32
      %add3A_180 = arith.addi %mul3A_2, %mul3A_179 : i32
      %dma_start3A_181 = arith.constant 0 : i32
      %dma_start3A_182 = tpu.memref_slice %arg4[%add3A_180, %dma_start3A_181] : memref<819200x128xf32, #tpu.memory_space<hbm>> -> memref<128x128xf32, #tpu.memory_space<hbm>>
      %dma_start3A_183 = arith.constant 0 : i32
      %dma_start3A_184 = tpu.memref_slice %arg4[%add3A_180, %dma_start3A_183] : memref<819200x128xf32, #tpu.memory_space<hbm>> -> memref<128x128xf32, #tpu.memory_space<hbm>>
      tpu.enqueue_dma source(%arg9 : memref<128x128xf32, #tpu.memory_space<vmem>>) target(%dma_start3A_184 : memref<128x128xf32, #tpu.memory_space<hbm>>) target_semaphore(%arg17 : memref<!tpu.dma_semaphore, #tpu.memory_space<semaphore_mem>>)
    }
    %scan3A_28 = arith.constant 50 : i32
    %dma_wait3A = arith.constant 0 : i32
    %dma_wait3A_29 = tpu.memref_slice %arg4[%mul3A_2, %dma_wait3A] : memref<819200x128xf32, #tpu.memory_space<hbm>> -> memref<128x128xf32, #tpu.memory_space<hbm>>
    %dma_wait3A_30 = arith.constant 0 : i32
    %dma_wait3A_31 = tpu.memref_slice %arg4[%mul3A_2, %dma_wait3A_30] : memref<819200x128xf32, #tpu.memory_space<hbm>> -> memref<128x128xf32, #tpu.memory_space<hbm>>
    tpu.wait_dma2 semaphore(%arg17 : memref<!tpu.dma_semaphore, #tpu.memory_space<semaphore_mem>>) src(%arg9 : memref<128x128xf32, #tpu.memory_space<vmem>>) dst(%dma_wait3A_31 : memref<128x128xf32, #tpu.memory_space<hbm>>)
    %dma_wait3A_32 = arith.constant 0 : i32
    %dma_wait3A_33 = arith.constant 0 : i32
    %dma_wait3A_34 = tpu.memref_slice %arg5[%dma_wait3A_32, %dma_wait3A_33] : memref<200x128xi32, #tpu.memory_space<vmem>> -> memref<1x128xi32, #tpu.memory_space<vmem>>
    %dma_wait3A_35 = tpu.memref_squeeze %dma_wait3A_34 : memref<1x128xi32, #tpu.memory_space<vmem>> -> memref<128xi32, #tpu.memory_space<vmem>>
    %dma_wait3A_36 = arith.constant 0 : i32
    %dma_wait3A_37 = arith.constant 0 : i32
    %dma_wait3A_38 = tpu.memref_slice %arg2[%dma_wait3A_36, %dma_wait3A_37] : memref<1000000x128xf32, #tpu.memory_space<hbm>> -> memref<1000000x128xf32, #tpu.memory_space<hbm>>
    tpu.wait_indirect_dma semaphore(%arg10 : memref<!tpu.dma_semaphore, #tpu.memory_space<semaphore_mem>>) src(%dma_wait3A_38 : memref<1000000x128xf32, #tpu.memory_space<hbm>>) dst(%arg6 : memref<128x128xf32, #tpu.memory_space<vmem>>)
    %dma_wait3A_39 = arith.constant 0 : i32
    %dma_wait3A_40 = arith.constant 0 : i32
    %dma_wait3A_41 = tpu.memref_slice %arg5[%dma_wait3A_39, %dma_wait3A_40] : memref<200x128xi32, #tpu.memory_space<vmem>> -> memref<1x128xi32, #tpu.memory_space<vmem>>
    %dma_wait3A_42 = tpu.memref_squeeze %dma_wait3A_41 : memref<1x128xi32, #tpu.memory_space<vmem>> -> memref<128xi32, #tpu.memory_space<vmem>>
    %dma_wait3A_43 = arith.constant 0 : i32
    %dma_wait3A_44 = arith.constant 0 : i32
    %dma_wait3A_45 = tpu.memref_slice %arg2[%dma_wait3A_43, %dma_wait3A_44] : memref<1000000x128xf32, #tpu.memory_space<hbm>> -> memref<1000000x128xf32, #tpu.memory_space<hbm>>
    tpu.wait_indirect_dma semaphore(%arg11 : memref<!tpu.dma_semaphore, #tpu.memory_space<semaphore_mem>>) src(%dma_wait3A_45 : memref<1000000x128xf32, #tpu.memory_space<hbm>>) dst(%arg7 : memref<128x128xf32, #tpu.memory_space<vmem>>)
    %dma_wait3A_46 = arith.constant 0 : i32
    %dma_wait3A_47 = arith.constant 0 : i32
    %dma_wait3A_48 = tpu.memref_slice %arg5[%dma_wait3A_46, %dma_wait3A_47] : memref<200x128xi32, #tpu.memory_space<vmem>> -> memref<1x128xi32, #tpu.memory_space<vmem>>
    %dma_wait3A_49 = tpu.memref_squeeze %dma_wait3A_48 : memref<1x128xi32, #tpu.memory_space<vmem>> -> memref<128xi32, #tpu.memory_space<vmem>>
    %dma_wait3A_50 = arith.constant 0 : i32
    %dma_wait3A_51 = arith.constant 0 : i32
    %dma_wait3A_52 = tpu.memref_slice %arg2[%dma_wait3A_50, %dma_wait3A_51] : memref<1000000x128xf32, #tpu.memory_space<hbm>> -> memref<1000000x128xf32, #tpu.memory_space<hbm>>
    tpu.wait_indirect_dma semaphore(%arg12 : memref<!tpu.dma_semaphore, #tpu.memory_space<semaphore_mem>>) src(%dma_wait3A_52 : memref<1000000x128xf32, #tpu.memory_space<hbm>>) dst(%arg8 : memref<128x128xf32, #tpu.memory_space<vmem>>)
    return
  }
}

module attributes {stable_mosaic.version = 14 : i64} {
  func.func @_prep_body(%arg0: i32, %arg1: memref<8000x64xf32, #tpu.memory_space<vmem>>, %arg2: memref<8000x128xf32, #tpu.memory_space<vmem>>) attributes {dimension_semantics = [#tpu.dimension_semantics<arbitrary>], iteration_bounds = array<i64: 125>, scalar_prefetch = 0 : i64, scratch_operands = 0 : i64, tpu.core_type = #tpu.core_type<tc>, window_params = [{transform_indices = @transform_0, window_bounds = array<i64: 8000, 64>}, {transform_indices = @transform_1, window_bounds = array<i64: 8000, 128>}]} {
    %mul3A = arith.constant 8000 : i32
    %mul3A_0 = arith.muli %arg0, %mul3A : i32
    %get3A = arith.constant 0 : index
    %get3A_1 = arith.constant 0 : index
    %get3A_2 = vector.load %arg1[%get3A, %get3A_1] : memref<8000x64xf32, #tpu.memory_space<vmem>>, vector<8000x64xf32>
    %mul3A_3 = arith.constant 8.000000e+00 : f32
    %mul3A_4 = vector.broadcast %mul3A_3 : f32 to vector<8000x64xf32>
    %mul3A_5 = arith.mulf %get3A_2, %mul3A_4 : vector<8000x64xf32>
    %iota3A = tpu.iota {dimensions = array<i32: 0>} : vector<8000x64xi32>
    %add3A = vector.broadcast %mul3A_0 : i32 to vector<8000x64xi32>
    %add3A_6 = arith.addi %add3A, %iota3A : vector<8000x64xi32>
    %eq3A = arith.constant 0 : i32
    %eq3A_7 = vector.broadcast %eq3A : i32 to vector<8000x64xi32>
    %eq3A_8 = arith.cmpi eq, %add3A_6, %eq3A_7 : vector<8000x64xi32>
    %jit3A = arith.constant 0.000000e+00 : f32
    %broadcast_in_dim3A = vector.broadcast %jit3A : f32 to vector<8000x64xf32>
    %select_n3A = arith.select %eq3A_8, %broadcast_in_dim3A, %mul3A_5 : vector<8000x64xi1>, vector<8000x64xf32>
    %broadcast_in_dim3A_9 = arith.constant 0.000000e+00 : f32
    %broadcast_in_dim3A_10 = vector.broadcast %broadcast_in_dim3A_9 : f32 to vector<8000x64xf32>
    %concatenate3A = tpu.concatenate %select_n3A, %broadcast_in_dim3A_10 in 1 : vector<8000x64xf32>, vector<8000x64xf32> -> vector<8000x128xf32>
    %swap3A = arith.constant 0 : index
    %swap3A_11 = arith.constant 0 : index
    %swap3A_12 = vector.load %arg2[%swap3A, %swap3A_11] : memref<8000x128xf32, #tpu.memory_space<vmem>>, vector<8000x128xf32>
    tpu.vector_store %arg2[%swap3A, %swap3A_11], %concatenate3A {strides = array<i32>} : memref<8000x128xf32, #tpu.memory_space<vmem>>, vector<8000x128xf32>,
    return
  }
  func.func @transform_0(%arg0: i32) -> (i32, i32) {
    %c0_i32 = arith.constant 0 : i32
    %c0_i32_0 = arith.constant 0 : i32
    return %arg0, %c0_i32 : i32, i32
  }
  func.func @transform_1(%arg0: i32) -> (i32, i32) {
    %c0_i32 = arith.constant 0 : i32
    %c0_i32_0 = arith.constant 0 : i32
    return %arg0, %c0_i32 : i32, i32
  }
}

</mosaic_0001>

<sc_bundles>
// kernel: kernel.4.cloned.1.call-start
scs
__scs_entry_jumppad:
0x0: {  	(pc) =	sbr.rel $0x88, $3  }
0x1: {  	(tag) =	ssettag $0x0;
	lr =	simm.s32 $0x1  }
0x2: {  	[smem:$0x3F9F] =	sst lr;
	_ =	strace $0xD0000000  }
0x3: {  	_ = 	snop  }
0x4: {  	_ = 	snop  }
0x5: {  	_ = 	snop  }
0x6: {  	_ = 	snop  }
0x7: {  	_ = 	snop  }
__scs_overlays_trampoline_lowered:
0x8: {  	[smem:$0x3FAE] =	sst s0  }
0x9: {  	[smem:$0x3FAF] =	sst s1  }
0xa: {  	[smem:$0x3FB0] =	sst s2  }
0xb: {  	[smem:$0x3FB1] =	sst s3  }
0xc: {  	[smem:$0x3FB2] =	sst s4  }
0xd: {  	[smem:$0x3FB3] =	sst s5  }
0xe: {  	[smem:$0x3FB4] =	sst s6  }
0xf: {  	[smem:$0x3FB5] =	sst s7  }
0x10: {  	[smem:$0x3FB6] =	sst s8  }
0x11: {  	[smem:$0x3FB7] =	sst s9;
	s0 =	simm.s32 @!p0 $0x0  }
0x12: {  	s1 =	sld [smem:$0x3F9D];
	s0 =	simm.s32 @p0 $0x1  }
0x13: {  	[smem:$0x3FB8] =	sst s0;
	s0 =	simm.s32 @!p1 $0x0  }
0x14: {  	s2 =	sld [smem:$0x3F9C];
	s0 =	simm.s32 @p1 $0x1  }
0x15: {  	[smem:$0x3FB9] =	sst s0;
	s0 =	simm.s32 @!p2 $0x0  }
0x16: {  	s3 =	sld [smem:$0x3FDB];
	s0 =	simm.s32 @p2 $0x1  }
0x17: {  	s4 =	simm.s32 $0x1BF5;
	[smem:$0x3FBB] =	sst s0  }
0x18: {  	s0 =	sld [smem:$0x3F9E];
	_ =	swait.ge [sflag:s4], $0x0  }
0x19: {  	s7 =	sld [smem:$0x3F9F]  }
0x1a: {  	s8 =	sadd.s32 $0xFFFFE003, lr  }
0x1b: {  	s9 =	sadd.s32 $0xFFFFFEF7, lr;
	s5 =	simm.s32 $0xFFFFFFFF;
	p2 =	slt.u32 s8, $0xFFFFF086  }
0x1c: {  	p1 =	slt.u32 s9, $0xF7A;
	s5 =	simm.s32 @!p2 $0x0  }
0x1d: {  	s5 =	simm.s32 @p1 $0x1;
	p0 =	seq.s32 s7, s2  }
0x1e: {  	s7 =	smul.u32 @!p0 $0xF7A, s2;
	p2 =	seq.s32 @!p0 s5, $0x0  }
0x1f: {  	s9 =	smul.u32 $0xF7A, s1;
	s8 =	simm.s32 @!p0 $0x1BF5;
	p2 =	por !p2, p0  }
0x20: {  	[sflag:s8] =	ssyncset.s32 @!p0 $0xFFFFF086;
	s6 =	sadd.s32 @!p0 s3, s7;
	s7 =	simm.s32 @!p0 $0x108  }
0x21: {  	s3 =	sadd.s32 s3, s9;
	s6 =	sadd.s32 @!p0 $0x88, s6;
	s7 =	simm.s32 @p2 $0x1082  }
0x22: {  	[simem:s7], [sflag:s8] =	dma.local @!p0 [hbm:s6], $0xF7A  }
0x23: {  	s9 =	sor.u32 $0xD0000000, s2;
	s6 =	simm.s32 $0x108;
	_ =	swait.ge @!p0 [sflag:s8], $0x0  }
0x24: {  	s3 =	sadd.s32 $0x88, s3;
	s6 =	simm.s32 @!p1 $0x1082;
	[sflag:s4] =	ssyncset.s32 $0xFFFFF086  }
0x25: {  	[simem:s6], [sflag:s4] =	dma.local [hbm:s3], $0xF7A  }
0x26: {  	[smem:$0x3F9F] =	sst s1;
	(tag) =	ssettag s2;
	_ =	strace s9  }
0x27: {  	s1 =	sld [smem:$0x3FAF]  }
0x28: {  	s2 =	sld [smem:$0x3FB0]  }
0x29: {  	s4 =	sld [smem:$0x3FB2]  }
0x2a: {  	p0 =	seq.s32 s5, $0x0;
	s5 =	sld [smem:$0x3FB3]  }
0x2b: {  	s6 =	sld [smem:$0x3FB4]  }
0x2c: {  	s7 =	sld [smem:$0x3FB5]  }
0x2d: {  	s3 =	simm.s32 $0x108;
	s8 =	sld [smem:$0x3FB6]  }
0x2e: {  	s3 =	simm.s32 @!p0 $0x1082;
	s9 =	sld [smem:$0x3FB7]  }
0x2f: {  	lr =	sadd.s32 s0, s3;
	s0 =	sld [smem:$0x3FAE]  }
0x30: {  	s3 =	sld [smem:$0x3FB1]  }
0x31: {  	[smem:$0x3FBA] =	sst s10  }
0x32: {  	s10 =	sld [smem:$0x3FB8];
	_ =	sdelay $0x3  }
0x33: {  	p0 =	seq.s32 s10, $0x1;
	s10 =	sld [smem:$0x3FBA];
	_ =	sdelay $0x3  }
0x34: {  	[smem:$0x3FBA] =	sst s10  }
0x35: {  	s10 =	sld [smem:$0x3FB9];
	_ =	sdelay $0x3  }
0x36: {  	p1 =	seq.s32 s10, $0x1;
	s10 =	sld [smem:$0x3FBA];
	_ =	sdelay $0x3  }
0x37: {  	[smem:$0x3FBA] =	sst s10  }
0x38: {  	s10 =	sld [smem:$0x3FBB]  }
0x39: {  	_ = 	snop;
	(pc) =	sbr.ind lr, $3  }
0x3a: {  	_ = 	snop  }
0x3b: {  	_ = 	snop  }
0x3c: {  	p2 =	seq.s32 s10, $0x1;
	s10 =	sld [smem:$0x3FBA]  }
0x3d: {  	_ =	shalt  }
0x3e: {  	_ =	shalt  }
0x3f: {  	_ =	shalt  }
0x40: {  	_ =	shalt  }
0x41: {  	_ =	shalt  }
0x42: {  	_ =	shalt  }
0x43: {  	_ =	shalt  }
0x44: {  	_ =	shalt  }
0x45: {  	_ =	shalt  }
0x46: {  	_ =	shalt  }
0x47: {  	_ =	shalt  }
0x48: {  	_ =	shalt  }
0x49: {  	_ =	shalt  }
0x4a: {  	_ =	shalt  }
0x4b: {  	_ =	shalt  }
0x4c: {  	_ =	shalt  }
0x4d: {  	_ =	shalt  }
0x4e: {  	_ =	shalt  }
0x4f: {  	_ =	shalt  }
0x50: {  	_ =	shalt  }
0x51: {  	_ =	shalt  }
0x52: {  	_ =	shalt  }
0x53: {  	_ =	shalt  }
0x54: {  	_ =	shalt  }
0x55: {  	_ =	shalt  }
0x56: {  	_ =	shalt  }
0x57: {  	_ =	shalt  }
0x58: {  	_ =	shalt  }
0x59: {  	_ =	shalt  }
0x5a: {  	_ =	shalt  }
0x5b: {  	_ =	shalt  }
0x5c: {  	_ =	shalt  }
0x5d: {  	_ =	shalt  }
0x5e: {  	_ =	shalt  }
0x5f: {  	_ =	shalt  }
0x60: {  	_ =	shalt  }
0x61: {  	_ =	shalt  }
0x62: {  	_ =	shalt  }
0x63: {  	_ =	shalt  }
0x64: {  	_ =	shalt  }
0x65: {  	_ =	shalt  }
0x66: {  	_ =	shalt  }
0x67: {  	_ =	shalt  }
0x68: {  	_ =	shalt  }
0x69: {  	_ =	shalt  }
0x6a: {  	_ =	shalt  }
0x6b: {  	_ =	shalt  }
0x6c: {  	_ =	shalt  }
0x6d: {  	_ =	shalt  }
0x6e: {  	_ =	shalt  }
0x6f: {  	_ =	shalt  }
0x70: {  	_ =	shalt  }
0x71: {  	_ =	shalt  }
0x72: {  	_ =	shalt  }
0x73: {  	_ =	shalt  }
0x74: {  	_ =	shalt  }
0x75: {  	_ =	shalt  }
0x76: {  	_ =	shalt  }
0x77: {  	_ =	shalt  }
0x78: {  	_ =	shalt  }
0x79: {  	_ =	shalt  }
0x7a: {  	_ =	shalt  }
0x7b: {  	_ =	shalt  }
0x7c: {  	_ =	shalt  }
0x7d: {  	_ =	shalt  }
0x7e: {  	_ =	shalt  }
0x7f: {  	_ =	shalt  }
0x80: {  	_ =	shalt  }
0x81: {  	_ =	shalt  }
0x82: {  	_ =	shalt  }
0x83: {  	_ =	shalt  }
0x84: {  	_ =	shalt  }
0x85: {  	_ =	shalt  }
0x86: {  	_ =	shalt  }
0x87: {  	_ =	shalt  }
.Lfunc_end0:
.L_simem_size_0:
called_computation.1_lowered:
.L_overlay_start_0:
0x88: {  	s2 =	sld [smem:$0x3FD9]  }
0x89: {  	s3 =	sld [smem:$0x3FFE];
	_ =	sdelay $0x1  }
0x8a: {  	s1 =	srdreg.scid  }
0x8b: {  	s0 =	sand.u32 $0x1, s1  }
0x8c: {  	s17 =	sshll.u32 s0, $0xA;
	s2 =	sadd.s32 s3, s2  }
0x8d: {  	s2 =	sadd.s32 s2, s17  }
0x8e: {  	[smem:$0x3FC6] =	sst s2  }
0x8f: {  	_ = 	snop  }
0x90: {  	s2 =	sld [smem:$0x3FD0];
	(tm) =	ssettm $0x1  }
0x91: {  	s18 =	sld [smem:$0x3FFB];
	_ =	sdelay $0x3  }
0x92: {  	_ =	strace s18  }
0x93: {  	s3 =	sld [smem:$0x3FFC];
	_ =	sdelay $0x3  }
0x94: {  	_ =	strace s3  }
0x95: {  	s3 =	sld [smem:$0x3FFD];
	_ =	sdelay $0x3  }
0x96: {  	_ =	strace s3  }
0x97: {  	_ =	strace $0x8FFFFFFF  }
0x98: {  	s19 =	sld [smem:$0x3FDB];
	_ =	sdelay $0x1  }
0x99: {  	s4 =	simm.s32 $_scs_section_size  }
0x9a: {  	s5 =	simm.s32 $_size__tile_overlayer_lowered;
	s6 =	simm.s32 $_tile_overlayer_lowered  }
0x9b: {  	s22 =	simm.s32 $0x1BFF;
	s21 =	sshll.u32 s6, $0x1;
	s3 =	sadd.s32 s4, s19  }
0x9c: {  	s7 =	simm.s32 $0x0;
	s20 =	sshll.u32 s5, $0x1;
	s5 =	sadd.s32 s21, s3  }
0x9d: {  	[timem:s7], [sflag:s22] =	dma.local [hbm:s5], s20  }
0x9e: {  	_ =	swait.ge [sflag:s22], s20  }
0x9f: {  	s4 =	ssub.s32 $0x0, s20;
	[sflag:s22] =	ssyncset.done $0x0  }
0xa0: {  	[sflag:s22] =	ssyncadd.s32 s4;
	_ =	sdelay $0x1  }
0xa1: {  	s23 =	simm.s32 $0x1B8B  }
0xa2: {  	_ =	swait.ge [sflag:s23], $0x1  }
0xa3: {  	[sflag:s23] =	ssyncset.done $0x0  }
0xa4: {  	s25 =	simm.s32 $0x1B8E;
	s24 =	sld [smem:$0x3FFE];
	[sflag:s23] =	ssyncadd.s32 $0xFFFFFFFF  }
0xa5: {  	s26 =	simm.s32 $execute0_lowered;
	[smem:$0x3FD2] =	sst s25  }
0xa6: {  	s5 =	sshll.u32 s26, $0x1;
	_ =	strace $0x80000046;
	[dreg:$0x1] =	wrdreg $0xFFFFFFFF  }
0xa7: {  	s28 =	simm.s32 $_size_execute0_lowered;
	s3 =	sadd.s32 s3, s5;
	[dreg:$0x0] =	wrdreg $0x0  }
0xa8: {  	s5 =	sshll.u32 s28, $0x1;
	[dreg:$0x2] =	wrdreg s3  }
0xa9: {  	[dreg:$0x3] =	wrdreg s5  }
0xaa: {  	[dreg:$0x4] =	wrdreg $0xC0  }
0xab: {  	_ =	task [dreg:s7], $0x5FFFF  }
0xac: {  	[dreg:$0x1] =	wrdreg $0xFFFFFFFF  }
0xad: {  	[dreg:$0x0] =	wrdreg $0x60  }
0xae: {  	[dreg:$0x2] =	wrdreg s24  }
0xaf: {  	[dreg:$0x3] =	wrdreg s2  }
0xb0: {  	[dreg:$0x4] =	wrdreg $0x9  }
0xb1: {  	_ =	task.clear_ibuf [dreg:s7], $0x5FFFF;
	_ =	strace $0x90000046  }
0xb2: {  	s29 =	simm.s32 $0x9;
	_ =	strace $0x80000048  }
0xb3: {  	_ =	swait.ge [sflag:s29], $0x1  }
0xb4: {  	[sflag:s29] =	ssyncadd.s32 $0xFFFFFFFF  }
0xb5: {  	_ =	strace $0x90000048  }
0xb6: {  	_ =	sfence  }
0xb7: {  	s30 =	sld [smem:$0x0];
	_ =	sdelay $0x2  }
0xb8: {  	s31 =	sshll.u32 s1, $0xD;
	s1 =	sshrl.u32 s1, $0x2  }
0xb9: {  	s3 =	sand.u32 $0x4000, s31;
	s1 =	sadd.s32 s1, s30  }
0xba: {  	s0 =	sor.u32 s3, s0;
	s1 =	sshll.u32 s1, $0x11  }
0xbb: {  	s0 =	sor.u32 s1, s0  }
0xbc: {  	s0 =	sadd.s32 $0x8F2B, s0  }
0xbd: {  	[sflag:s0] =	ssyncadd.remote.s32 $0x1  }
0xbe: {  	_ =	sfence.sel $0xFFFF  }
0xbf: {  	[dreg:$0x0] =	wrdreg $0xFFFFFFFF;
	(pc) =	sbr.abs _section_cstart, $3  }
0xc0: {  	[dreg:$0x1] =	wrdreg $0xFFFFFFFF  }
0xc1: {  	_ =	task.clear_ibuf [dreg:s7], $0x2FFFF;
	_ =	strace $0x9FFFFFFF  }
0xc2: {  	(tm) =	ssettm $0x7FFFFFFF  }
0xc3: {  	_ =	shalt  }
tec
execute0_lowered:
.L_overlay_start_1:
0x0: {  	(tag) =	ssettag $0x1  }
0x1: {  	s0 =	rddreg [dreg:$0x0]  }
0x2: {  	s1 =	rddreg [dreg:$0x1]  }
0x3: {  	s3 =	srdreg.scid;
	s10 =	stileid.u32  }
0x4: {  	s2 =	simm.s32 $0x0;
	s29 =	simm.s32 $0x2;
	s20 =	smul.u32 $0x640000, s10  }
0x5: {  	s30 =	simm.s32 $0x6;
	s4 =	sand.u32 $0x1, s3;
	s25 =	smul.u32 $0xC8000, s10  }
0x6: {  	s28 =	simm.s32 $0x8;
	s15 =	sshll.u32 s10, $0x1;
	s23 =	smul.u32 $0x320000, s4  }
0x7: {  	s5 =	sor.u32 s4, s15;
	s7 =	ssub.s32 $0x2, s4;
	s4 =	smul.u32 $0x64000, s4  }
0x8: {  	s31 =	simm.s32 $0x6380;
	[smem:$0x7FF] =	sst s2;
	s6 =	smul.u32 $0xC80, s5  }
0x9: {  	s3 =	sadd.s32 $0xF42E00, s0;
	s0 =	sadd.s32 $0xA00, s0;
	s8 =	smul.u32 $0x320000, s5  }
0xa: {  	_ =	strace $0x80000047;
	s9 =	sshrl.u32 s7, $0x1;
	s5 =	smul.u32 $0x64000, s5  }
0xb: {  	s7 =	ssub.s32 s7, s9;
	s1 =	sadd.s32 s1, s6;
	s16 =	sshrl.u32 s8, $0x3  }
0xc: {  	s17 =	smax.u32 s7, $0x1;
	s18 =	sadd.s32 s5, s0;
	[dreg:$0x3] =	wrdreg s1  }
0xd: {  	[dreg:$0x4] =	wrdreg s17;
	s6 =	sadd.s32 s0, s16;
	s5 =	sadd.s32 $0x800, s18  }
0xe: {  	s19 =	sadd.s32 $0x1000, s18;
	s24 =	sadd.s32 $0x62800, s18;
	s12 =	sadd.s32 $0x63000, s18  }
0xf: {  	s1 =	sadd.s32 s25, s0;
	s17 =	simm.s32 $0x9;
	[dreg:$0x5] =	wrdreg s5  }
0x10: {  	s18 =	simm.s32 $0x80;
	s25 =	simm.s32 $0x1;
	[dreg:$0x6] =	wrdreg s19  }
0x11: {  	s21 =	sadd.s32 $0x1800, s6;
	s22 =	sadd.s32 $0x62000, s6;
	[dreg:$0x9] =	wrdreg s24  }
0x12: {  	s13 =	sadd.s32 $0x63800, s6;
	s5 =	sadd.s32 s23, s20;
	s1 =	sadd.s32 s4, s1  }
0x13: {  	s19 =	simm.s32 $0x6400;
	s20 =	simm.s32 $0xA400;
	[dreg:$0x7] =	wrdreg s21  }
0x14: {  	s24 =	simm.s32 $0x12400;
	s23 =	simm.s32 $0x4;
	[dreg:$0x8] =	wrdreg s22  }
0x15: {  	s7 =	sor.u32 $0x10000, s5;
	s5 =	sor.u32 $0x1C000, s5;
	s15 =	sadd.s32 $0x3000, s1  }
0x16: {  	s22 =	simm.s32 $0xE400;
	s1 =	simm.s32 $0x7;
	s7 =	sshrl.u32 s7, $0x3  }
0x17: {  	s21 =	simm.s32 $0x0;
	s26 =	sshrl.u32 s5, $0x3;
	s14 =	sadd.s32 s7, s0  }
0x18: {  	s9 =	sadd.s32 s26, s0;
	s26 =	simm.s32 $0x5;
	s0 =	simm.s32 $0x3  }
.LBB2_1:
0x19: {  	s4 =	rddreg [dreg:$0x3]  }
0x1a: {  	[tilespmem:s2], [sflag:$0x9] =	stream.linear.gather [hbm4b:s4+s2], $0x6400, $0x38;
	[tilespmem:$0x16400] =	vst v63  }
0x1b: {  	_ =	swait.ge [sflag:s17], $0x6400  }
0x1c: {  	[sflag:s17] =	ssyncset.done $0x0  }
0x1d: {  	[sflag:s17] =	ssyncadd.s32 $0xFFFF9C00  }
0x1e: {  	[tilespmem:s19], [sflag:$0x1] =	stream.indirect.gather [hbm4b:s3+s18], $0x80, s2, s18, $0xb8;
	[tilespmem:$0x16400] =	vst v63  }
0x1f: {  	_ = 	snop  }
0x20: {  	[tilespmem:s20], [sflag:$0x2] =	stream.indirect.gather [hbm4b:s3+s18], $0x80, s18, s18, $0xb8;
	[tilespmem:$0x16400] =	vst v63  }
0x21: {  	s16 =	simm.s32 $0x100  }
0x22: {  	[tilespmem:s22], [sflag:$0x3] =	stream.indirect.gather [hbm4b:s3+s18], $0x80, s16, s18, $0xb8;
	[tilespmem:$0x16400] =	vst v63  }
0x23: {  	s5 =	simm.s32 $0x180  }
0x24: {  	[tilespmem:s24], [sflag:$0x4] =	stream.indirect.gather [hbm4b:s3+s18], $0x80, s5, s18, $0xb8;
	[tilespmem:$0x16400] =	vst v63  }
0x25: {  	_ =	swait.ge [sflag:s25], $0x4000  }
0x26: {  	[sflag:s25] =	ssyncset.done $0x0  }
0x27: {  	[sflag:s25] =	ssyncadd.s32 $0xFFFFC000  }
0x28: {  	[hbm4b:s6+s2] =	stream.linear.scatter [tilespmem:s19], [sflag:$0x5], $0x4000, $0x38;
	[tilespmem:$0x16400] =	vst v63  }
0x29: {  	_ =	swait.ge [sflag:s26], $0x4000  }
0x2a: {  	[sflag:s26] =	ssyncset.done $0x0  }
0x2b: {  	s7 =	simm.s32 $0x200;
	[sflag:s26] =	ssyncadd.s32 $0xFFFFC000  }
0x2c: {  	[tilespmem:s19], [sflag:$0x1] =	stream.indirect.gather [hbm4b:s3+s18], $0x80, s7, s18, $0xb8;
	[tilespmem:$0x16400] =	vst v63  }
0x2d: {  	_ =	swait.ge [sflag:s29], $0x4000  }
0x2e: {  	[sflag:s29] =	ssyncset.done $0x0  }
0x2f: {  	s8 =	rddreg [dreg:$0x5];
	[sflag:s29] =	ssyncadd.s32 $0xFFFFC000  }
0x30: {  	[hbm4b:s8+s2] =	stream.linear.scatter [tilespmem:s20], [sflag:$0x6], $0x4000, $0x38;
	[tilespmem:$0x16400] =	vst v63  }
0x31: {  	_ =	swait.ge [sflag:s30], $0x4000  }
0x32: {  	[sflag:s30] =	ssyncset.done $0x0  }
0x33: {  	s10 =	simm.s32 $0x280;
	[sflag:s30] =	ssyncadd.s32 $0xFFFFC000  }
0x34: {  	[tilespmem:s20], [sflag:$0x2] =	stream.indirect.gather [hbm4b:s3+s18], $0x80, s10, s18, $0xb8;
	[tilespmem:$0x16400] =	vst v63  }
0x35: {  	_ =	swait.ge [sflag:s0], $0x4000  }
0x36: {  	[sflag:s0] =	ssyncset.done $0x0  }
0x37: {  	s11 =	rddreg [dreg:$0x6];
	[sflag:s0] =	ssyncadd.s32 $0xFFFFC000  }
0x38: {  	[hbm4b:s11+s2] =	stream.linear.scatter [tilespmem:s22], [sflag:$0x7], $0x4000, $0x38;
	[tilespmem:$0x16400] =	vst v63  }
0x39: {  	_ =	swait.ge [sflag:s1], $0x4000  }
0x3a: {  	[sflag:s1] =	ssyncset.done $0x0  }
0x3b: {  	s16 =	simm.s32 $0x300;
	[sflag:s1] =	ssyncadd.s32 $0xFFFFC000  }
0x3c: {  	[tilespmem:s22], [sflag:$0x3] =	stream.indirect.gather [hbm4b:s3+s18], $0x80, s16, s18, $0xb8;
	[tilespmem:$0x16400] =	vst v63  }
0x3d: {  	_ =	swait.ge [sflag:s23], $0x4000  }
0x3e: {  	[sflag:s23] =	ssyncset.done $0x0  }
0x3f: {  	s5 =	rddreg [dreg:$0x7];
	[sflag:s23] =	ssyncadd.s32 $0xFFFFC000  }
0x40: {  	[hbm4b:s5+s2] =	stream.linear.scatter [tilespmem:s24], [sflag:$0x8], $0x4000, $0x38;
	[tilespmem:$0x16400] =	vst v63  }
0x41: {  	_ =	swait.ge [sflag:s28], $0x4000  }
0x42: {  	[sflag:s28] =	ssyncset.done $0x0  }
0x43: {  	s7 =	simm.s32 $0x380;
	[sflag:s28] =	ssyncadd.s32 $0xFFFFC000  }
0x44: {  	[tilespmem:s24], [sflag:$0x4] =	stream.indirect.gather [hbm4b:s3+s18], $0x80, s7, s18, $0xb8;
	[tilespmem:$0x16400] =	vst v63  }
0x45: {  	_ =	swait.ge [sflag:s25], $0x4000  }
0x46: {  	[sflag:s25] =	ssyncset.done $0x0  }
0x47: {  	[sflag:s25] =	ssyncadd.s32 $0xFFFFC000  }
0x48: {  	[hbm4b:s14+s2] =	stream.linear.scatter [tilespmem:s19], [sflag:$0x5], $0x4000, $0x38;
	[tilespmem:$0x16400] =	vst v63  }
0x49: {  	_ =	swait.ge [sflag:s26], $0x4000  }
0x4a: {  	[sflag:s26] =	ssyncset.done $0x0  }
0x4b: {  	s8 =	simm.s32 $0x400;
	[sflag:s26] =	ssyncadd.s32 $0xFFFFC000  }
0x4c: {  	[tilespmem:s19], [sflag:$0x1] =	stream.indirect.gather [hbm4b:s3+s18], $0x80, s8, s18, $0xb8;
	[tilespmem:$0x16400] =	vst v63  }
0x4d: {  	_ =	swait.ge [sflag:s29], $0x4000  }
0x4e: {  	[sflag:s29] =	ssyncset.done $0x0  }
0x4f: {  	s10 =	sadd.s32 $0xFFFFF800, s15;
	[sflag:s29] =	ssyncadd.s32 $0xFFFFC000  }
0x50: {  	[hbm4b:s10+s2] =	stream.linear.scatter [tilespmem:s20], [sflag:$0x6], $0x4000, $0x38;
	[tilespmem:$0x16400] =	vst v63  }
0x51: {  	_ =	swait.ge [sflag:s30], $0x4000  }
0x52: {  	[sflag:s30] =	ssyncset.done $0x0  }
0x53: {  	s11 =	simm.s32 $0x480;
	[sflag:s30] =	ssyncadd.s32 $0xFFFFC000  }
0x54: {  	[tilespmem:s20], [sflag:$0x2] =	stream.indirect.gather [hbm4b:s3+s18], $0x80, s11, s18, $0xb8;
	[tilespmem:$0x16400] =	vst v63  }
0x55: {  	_ =	swait.ge [sflag:s0], $0x4000  }
0x56: {  	[sflag:s0] =	ssyncset.done $0x0  }
0x57: {  	[sflag:s0] =	ssyncadd.s32 $0xFFFFC000  }
0x58: {  	[hbm4b:s15+s2] =	stream.linear.scatter [tilespmem:s22], [sflag:$0x7], $0x4000, $0x38;
	[tilespmem:$0x16400] =	vst v63  }
0x59: {  	_ =	swait.ge [sflag:s1], $0x4000  }
0x5a: {  	[sflag:s1] =	ssyncset.done $0x0  }
0x5b: {  	s16 =	simm.s32 $0x500;
	[sflag:s1] =	ssyncadd.s32 $0xFFFFC000  }
0x5c: {  	[tilespmem:s22], [sflag:$0x3] =	stream.indirect.gather [hbm4b:s3+s18], $0x80, s16, s18, $0xb8;
	[tilespmem:$0x16400] =	vst v63  }
0x5d: {  	s4 =	simm.s32 $0x800;
	_ =	swait.ge [sflag:s23], $0x4000  }
0x5e: {  	s5 =	sadd.s32 $0x2000, s9;
	s7 =	sadd.s32 $0x2000, s14;
	[sflag:s23] =	ssyncset.done $0x0  }
0x5f: {  	s8 =	sadd.s32 $0x2000, s15;
	s16 =	smov.u32 s9;
	[sflag:s23] =	ssyncadd.s32 $0xFFFFC000  }
.LBB2_2:
0x60: {  	[hbm4b:s16+s2] =	stream.linear.scatter [tilespmem:s24], [sflag:$0x8], $0x4000, $0x38;
	[tilespmem:$0x16400] =	vst v63  }
0x61: {  	s10 =	smov.u32 s4;
	s16 =	smov.u32 s5  }
0x62: {  	p0 =	sne.s32 s4, $0x17800;
	s4 =	sadd.s32 $0x800, s4;
	_ =	swait.ge [sflag:s28], $0x4000  }
0x63: {  	s10 =	sshra.s32 s10, $0x2;
	[sflag:s28] =	ssyncset.done $0x0  }
0x64: {  	s11 =	sadd.s32 $0x380, s10;
	[sflag:s28] =	ssyncadd.s32 $0xFFFFC000  }
0x65: {  	[tilespmem:s24], [sflag:$0x4] =	stream.indirect.gather [hbm4b:s3+s18], $0x80, s11, s18, $0xb8;
	[tilespmem:$0x16400] =	vst v63  }
0x66: {  	_ =	swait.ge [sflag:s25], $0x4000  }
0x67: {  	[sflag:s25] =	ssyncset.done $0x0  }
0x68: {  	[sflag:s25] =	ssyncadd.s32 $0xFFFFC000  }
0x69: {  	[hbm4b:s7+s2] =	stream.linear.scatter [tilespmem:s19], [sflag:$0x5], $0x4000, $0x38;
	[tilespmem:$0x16400] =	vst v63  }
0x6a: {  	_ =	swait.ge [sflag:s26], $0x4000  }
0x6b: {  	[sflag:s26] =	ssyncset.done $0x0  }
0x6c: {  	s11 =	sadd.s32 $0x400, s10;
	[sflag:s26] =	ssyncadd.s32 $0xFFFFC000  }
0x6d: {  	[tilespmem:s19], [sflag:$0x1] =	stream.indirect.gather [hbm4b:s3+s18], $0x80, s11, s18, $0xb8;
	[tilespmem:$0x16400] =	vst v63  }
0x6e: {  	_ =	swait.ge [sflag:s29], $0x4000  }
0x6f: {  	[sflag:s29] =	ssyncset.done $0x0  }
0x70: {  	s11 =	sadd.s32 $0xFFFFF800, s8;
	[sflag:s29] =	ssyncadd.s32 $0xFFFFC000  }
0x71: {  	[hbm4b:s11+s2] =	stream.linear.scatter [tilespmem:s20], [sflag:$0x6], $0x4000, $0x38;
	[tilespmem:$0x16400] =	vst v63  }
0x72: {  	_ =	swait.ge [sflag:s30], $0x4000  }
0x73: {  	[sflag:s30] =	ssyncset.done $0x0  }
0x74: {  	s11 =	sadd.s32 $0x480, s10;
	[sflag:s30] =	ssyncadd.s32 $0xFFFFC000  }
0x75: {  	[tilespmem:s20], [sflag:$0x2] =	stream.indirect.gather [hbm4b:s3+s18], $0x80, s11, s18, $0xb8;
	[tilespmem:$0x16400] =	vst v63  }
0x76: {  	_ =	swait.ge [sflag:s0], $0x4000  }
0x77: {  	[sflag:s0] =	ssyncset.done $0x0  }
0x78: {  	[sflag:s0] =	ssyncadd.s32 $0xFFFFC000  }
0x79: {  	[hbm4b:s8+s2] =	stream.linear.scatter [tilespmem:s22], [sflag:$0x7], $0x4000, $0x38;
	[tilespmem:$0x16400] =	vst v63  }
0x7a: {  	_ =	swait.ge [sflag:s1], $0x4000  }
0x7b: {  	[sflag:s1] =	ssyncset.done $0x0  }
.Ltmp0:
0x7c: {  	s10 =	sadd.s32 $0x500, s10;
	[sflag:s1] =	ssyncadd.s32 $0xFFFFC000;
	(pc) =	sbr.rel @p0 .LBB2_2-.Ltmp0, $4  }
0x7d: {  	[tilespmem:s22], [sflag:$0x3] =	stream.indirect.gather [hbm4b:s3+s18], $0x80, s10, s18, $0xb8;
	[tilespmem:$0x16400] =	vst v63  }
0x7e: {  	_ =	swait.ge [sflag:s23], $0x4000  }
0x7f: {  	s5 =	sadd.s32 $0x2000, s5;
	[sflag:s23] =	ssyncset.done $0x0  }
0x80: {  	s7 =	sadd.s32 $0x2000, s7;
	s8 =	sadd.s32 $0x2000, s8;
	[sflag:s23] =	ssyncadd.s32 $0xFFFFC000  }
0x81: {  	[hbm4b:s16+s2] =	stream.linear.scatter [tilespmem:s24], [sflag:$0x8], $0x4000, $0x38;
	[tilespmem:$0x16400] =	vst v63  }
0x82: {  	_ =	swait.ge [sflag:s28], $0x4000  }
0x83: {  	[sflag:s28] =	ssyncset.done $0x0  }
0x84: {  	[sflag:s28] =	ssyncadd.s32 $0xFFFFC000  }
0x85: {  	[tilespmem:s24], [sflag:$0x4] =	stream.indirect.gather [hbm4b:s3+s18], $0x80, s31, s18, $0xb8;
	[tilespmem:$0x16400] =	vst v63  }
0x86: {  	_ =	swait.ge [sflag:s25], $0x4000  }
0x87: {  	[sflag:s25] =	ssyncset.done $0x0  }
0x88: {  	s4 =	rddreg [dreg:$0x8];
	[sflag:s25] =	ssyncadd.s32 $0xFFFFC000  }
0x89: {  	[hbm4b:s4+s2] =	stream.linear.scatter [tilespmem:s19], [sflag:$0x5], $0x4000, $0x38;
	[tilespmem:$0x16400] =	vst v63  }
0x8a: {  	_ =	swait.ge [sflag:s26], $0x4000  }
0x8b: {  	[sflag:s26] =	ssyncset.done $0x0  }
0x8c: {  	[sflag:s26] =	ssyncadd.s32 $0xFFFFC000  }
0x8d: {  	[tilespmem:s19], [sflag:$0x1] =	stream.indirect.gather [hbm4b:s3+s18], $0x80, s31, s18, $0xb8;
	[tilespmem:$0x16400] =	vst v63  }
0x8e: {  	_ =	swait.ge [sflag:s29], $0x4000  }
0x8f: {  	[sflag:s29] =	ssyncset.done $0x0  }
0x90: {  	s11 =	rddreg [dreg:$0x9];
	[sflag:s29] =	ssyncadd.s32 $0xFFFFC000  }
0x91: {  	[hbm4b:s11+s2] =	stream.linear.scatter [tilespmem:s20], [sflag:$0x6], $0x4000, $0x38;
	[tilespmem:$0x16400] =	vst v63  }
0x92: {  	_ =	swait.ge [sflag:s30], $0x4000  }
0x93: {  	[sflag:s30] =	ssyncset.done $0x0  }
0x94: {  	[sflag:s30] =	ssyncadd.s32 $0xFFFFC000  }
0x95: {  	[tilespmem:s20], [sflag:$0x2] =	stream.indirect.gather [hbm4b:s3+s18], $0x80, s31, s18, $0xb8;
	[tilespmem:$0x16400] =	vst v63  }
0x96: {  	_ =	swait.ge [sflag:s0], $0x4000  }
0x97: {  	[sflag:s0] =	ssyncset.done $0x0  }
0x98: {  	[sflag:s0] =	ssyncadd.s32 $0xFFFFC000  }
0x99: {  	[hbm4b:s12+s2] =	stream.linear.scatter [tilespmem:s22], [sflag:$0x7], $0x4000, $0x38;
	[tilespmem:$0x16400] =	vst v63  }
0x9a: {  	_ =	swait.ge [sflag:s1], $0x4000  }
0x9b: {  	[sflag:s1] =	ssyncset.done $0x0  }
0x9c: {  	[sflag:s1] =	ssyncadd.s32 $0xFFFFC000  }
0x9d: {  	[tilespmem:s22], [sflag:$0x3] =	stream.indirect.gather [hbm4b:s3+s18], $0x80, s31, s18, $0xb8;
	[tilespmem:$0x16400] =	vst v63  }
0x9e: {  	_ =	swait.ge [sflag:s23], $0x4000  }
0x9f: {  	[sflag:s23] =	ssyncset.done $0x0  }
0xa0: {  	[sflag:s23] =	ssyncadd.s32 $0xFFFFC000  }
0xa1: {  	[hbm4b:s13+s2] =	stream.linear.scatter [tilespmem:s24], [sflag:$0x8], $0x4000, $0x38;
	[tilespmem:$0x16400] =	vst v63  }
0xa2: {  	_ =	swait.ge [sflag:s28], $0x4000  }
0xa3: {  	[sflag:s28] =	ssyncset.done $0x0  }
0xa4: {  	[sflag:s28] =	ssyncadd.s32 $0xFFFFC000  }
0xa5: {  	_ =	swait.ge [sflag:s25], $0x4000  }
0xa6: {  	[sflag:s25] =	ssyncset.done $0x0  }
0xa7: {  	[sflag:s25] =	ssyncadd.s32 $0xFFFFC000  }
0xa8: {  	_ =	swait.ge [sflag:s29], $0x4000  }
0xa9: {  	[sflag:s29] =	ssyncset.done $0x0  }
0xaa: {  	[sflag:s29] =	ssyncadd.s32 $0xFFFFC000  }
0xab: {  	_ =	swait.ge [sflag:s0], $0x4000  }
0xac: {  	s21 =	sadd.s32 $0x1, s21;
	s16 =	rddreg [dreg:$0x4]  }
0xad: {  	p0 =	sne.s32 s21, s16  }
.Ltmp1:
0xae: {  	_ = 	snop;
	(pc) =	sbr.rel @p0 .LBB2_1-.Ltmp1, $3  }
0xaf: {  	_ =	sdelay $0x1  }
0xb0: {  	[sflag:s0] =	ssyncset.done $0x0  }
0xb1: {  	[sflag:s0] =	ssyncadd.s32 $0xFFFFC000  }
0xb2: {  	_ =	sfence.sel $0x180000  }
0xb3: {  	[bflag:$0x0] =	sbarrier.arrive $0xFFFF  }
0xb4: {  	_ =	strace $0x90000047  }
0xb5: {  	s0 =	stileid.u32;
	[bflag:$0x2] =	sbarrier.arrive $0xFFFF  }
0xb6: {  	p0 =	sne.s32 s0, $0x0;
	s0 =	rddreg [dreg:$0x2]  }
0xb7: {  	s0 =	sadd.s32 @!p0 $0x100000, s0  }
0xb8: {  	[sflag:s0] =	ssyncadd.tile.s32 @!p0 $0x1;
	_ =	shalt  }
.Lfunc_end2:
_tile_overlayer_lowered:
.L_overlay_start_2:
0xb9: {  	(tag) =	ssettag $0x2  }
0xba: {  	s0 =	rddreg [dreg:$0x0];
	s2 =	stileid.u32  }
0xbb: {  	s1 =	rddreg [dreg:$0x1];
	p0 =	sne.s32 s2, $0x0  }
0xbc: {  	s3 =	rddreg [dreg:$0x2];
	[bflag:$0x3] =	sbarrier.arrive $0xFFFF;
	s2 =	simm.s32 @!p0 $0x1C09  }
0xbd: {  	[timem:s3], [sflag:s2] =	dma.local @!p0 [hbm:s0], s1  }
0xbe: {  	s0 =	simm.s32 @!p0 $0x9  }
0xbf: {  	_ =	swait.ge @!p0 [sflag:s0], s1  }
0xc0: {  	s1 =	ssub.s32 @!p0 $0x0, s1;
	[sflag:s0] =	ssyncset.done @!p0 $0x0  }
0xc1: {  	[sflag:s0] =	ssyncadd.s32 @!p0 s1  }
0xc2: {  	[bflag:$0x3] =	sbarrier.arrive $0xFFFF  }
0xc3: {  	_ =	shalt  }

// kernel: sparse-core-data-format-call.cloned.1.call-start
scs
called_computation_lowered:
.L_overlay_start_0:
0x0: {  	s2 =	sld [smem:$0x3FD9]  }
0x1: {  	s3 =	sld [smem:$0x3FFE];
	_ =	sdelay $0x1  }
0x2: {  	s1 =	srdreg.scid  }
0x3: {  	s0 =	sand.u32 $0x1, s1  }
0x4: {  	s18 =	sshll.u32 s0, $0xA;
	s2 =	sadd.s32 s3, s2  }
0x5: {  	s2 =	sadd.s32 s2, s18  }
0x6: {  	[smem:$0x3FC6] =	sst s2  }
0x7: {  	_ = 	snop  }
0x8: {  	s2 =	sld [smem:$0x3FD0];
	(tm) =	ssettm $0x1  }
0x9: {  	s19 =	sld [smem:$0x3FFB];
	_ =	sdelay $0x3  }
0xa: {  	_ =	strace s19  }
0xb: {  	s3 =	sld [smem:$0x3FFC];
	_ =	sdelay $0x3  }
0xc: {  	_ =	strace s3  }
0xd: {  	s3 =	sld [smem:$0x3FFD];
	_ =	sdelay $0x3  }
0xe: {  	_ =	strace s3  }
0xf: {  	_ =	strace $0x8FFFFFFF  }
0x10: {  	s20 =	sld [smem:$0x3FDB];
	_ =	sdelay $0x1  }
0x11: {  	s4 =	simm.s32 $_scs_section_size  }
0x12: {  	s5 =	simm.s32 $_size__tile_overlayer_lowered;
	s6 =	simm.s32 $_tile_overlayer_lowered  }
0x13: {  	s23 =	simm.s32 $0x1BFF;
	s22 =	sshll.u32 s6, $0x1;
	s3 =	sadd.s32 s4, s20  }
0x14: {  	s7 =	simm.s32 $0x0;
	s21 =	sshll.u32 s5, $0x1;
	s5 =	sadd.s32 s22, s3  }
0x15: {  	[timem:s7], [sflag:s23] =	dma.local [hbm:s5], s21  }
0x16: {  	_ =	swait.ge [sflag:s23], s21  }
0x17: {  	s4 =	ssub.s32 $0x0, s21;
	[sflag:s23] =	ssyncset.done $0x0  }
0x18: {  	[sflag:s23] =	ssyncadd.s32 s4;
	_ =	sdelay $0x1  }
0x19: {  	s24 =	simm.s32 $0x1B8B  }
0x1a: {  	_ =	swait.ge [sflag:s24], $0x1  }
0x1b: {  	[sflag:s24] =	ssyncset.done $0x0  }
0x1c: {  	s26 =	simm.s32 $0x1B8E;
	s25 =	sld [smem:$0x3FFE];
	[sflag:s24] =	ssyncadd.s32 $0xFFFFFFFF  }
0x1d: {  	s27 =	simm.s32 $execute0_lowered;
	[smem:$0x3FD2] =	sst s26  }
0x1e: {  	s5 =	sshll.u32 s27, $0x1;
	_ =	strace $0x80000049;
	[dreg:$0x1] =	wrdreg $0xFFFFFFFF  }
0x1f: {  	s28 =	simm.s32 $_size_execute0_lowered;
	s3 =	sadd.s32 s3, s5;
	[dreg:$0x0] =	wrdreg $0x0  }
0x20: {  	s5 =	sshll.u32 s28, $0x1;
	[dreg:$0x2] =	wrdreg s3  }
0x21: {  	[dreg:$0x3] =	wrdreg s5  }
0x22: {  	[dreg:$0x4] =	wrdreg $0xC0  }
0x23: {  	_ =	task [dreg:s7], $0x5FFFF  }
0x24: {  	[dreg:$0x1] =	wrdreg $0xFFFFFFFF  }
0x25: {  	[dreg:$0x0] =	wrdreg $0x60  }
0x26: {  	[dreg:$0x2] =	wrdreg s25  }
0x27: {  	[dreg:$0x3] =	wrdreg s2  }
0x28: {  	[dreg:$0x4] =	wrdreg $0x9  }
0x29: {  	_ =	task.clear_ibuf [dreg:s7], $0x5FFFF;
	_ =	strace $0x90000049  }
0x2a: {  	s29 =	simm.s32 $0x9;
	_ =	strace $0x8000004B  }
0x2b: {  	_ =	swait.ge [sflag:s29], $0x1  }
0x2c: {  	[sflag:s29] =	ssyncadd.s32 $0xFFFFFFFF  }
0x2d: {  	_ =	strace $0x9000004B  }
0x2e: {  	_ =	sfence  }
0x2f: {  	s30 =	sld [smem:$0x0];
	_ =	sdelay $0x2  }
0x30: {  	s31 =	sshll.u32 s1, $0xD;
	s1 =	sshrl.u32 s1, $0x2  }
0x31: {  	s3 =	sand.u32 $0x4000, s31;
	s1 =	sadd.s32 s1, s30  }
0x32: {  	s0 =	sor.u32 s3, s0;
	s1 =	sshll.u32 s1, $0x11  }
0x33: {  	s0 =	sor.u32 s1, s0  }
0x34: {  	s0 =	sadd.s32 $0x8F2B, s0  }
0x35: {  	[sflag:s0] =	ssyncadd.remote.s32 $0x1  }
0x36: {  	_ =	sfence.sel $0xFFFF  }
0x37: {  	[dreg:$0x0] =	wrdreg $0xFFFFFFFF;
	(pc) =	sbr.abs _section_cstart, $3  }
0x38: {  	[dreg:$0x1] =	wrdreg $0xFFFFFFFF  }
0x39: {  	_ =	task.clear_ibuf [dreg:s7], $0x2FFFF;
	_ =	strace $0x9FFFFFFF  }
0x3a: {  	(tm) =	ssettm $0x7FFFFFFF  }
0x3b: {  	_ =	shalt  }
tec
execute0_lowered:
.L_overlay_start_1:
0x0: {  	(tag) =	ssettag $0x1  }
0x1: {  	s0 =	srdreg.scid  }
0x2: {  	s1 =	sshll.u32 s0, $0x4  }
0x3: {  	s0 =	stileid.u32;
	s1 =	sand.u32 $0x10, s1  }
0x4: {  	s1 =	sor.u32 s0, s1  }
0x5: {  	s6 =	rddreg [dreg:$0x0];
	s4 =	simm.s32 $0x1;
	s2 =	sshll.u32 s1, $0x7  }
0x6: {  	s7 =	simm.s32 $0x2;
	s12 =	simm.s32 $0x0;
	s1 =	ssub.s32 $0x4000, s2  }
0x7: {  	s8 =	simm.s32 $0x20000;
	s13 =	simm.s32 $0x0;
	s3 =	sand.u32 $0xF80, s1  }
0x8: {  	s9 =	simm.s32 $0x0;
	s5 =	sshrl.u32 s1, $0xC;
	p0 =	sne.s32 s3, $0x0  }
.Ltmp0:
0x9: {  	s1 =	rddreg [dreg:$0x2];
	s4 =	simm.s32 @!p0 $0x0;
	(pc) =	sbr.rel .LBB1_1-.Ltmp0, $4  }
0xa: {  	s11 =	simm.s32 $0x0;
	s3 =	rddreg [dreg:$0x1];
	s5 =	sadd.s32 s4, s5  }
0xb: {  	_ =	strace $0x8000004A;
	s4 =	simm.s32 $0x1;
	s5 =	smul.u32 $0x32, s5  }
0xc: {  	s6 =	sadd.s32 $0xC80A00, s6;
	s10 =	smov.u32 s2;
	[sflag:s4] =	ssyncpa.u1 $0x0  }
0xd: {  	p0 =	por $0x0, $0x0;
	[sflag:s7] =	ssyncpa.u1 $0x0;
	s7 =	sor.u32 $0x1, s5  }
.LBB1_4:
0xe: {  	s16 =	sshll.u32 s13, $0x3;
	s17 =	sand.u32 $0x78, s13  }
0xf: {  	s30 =	sand.u32 $0x1F800, s13;
	s12 =	sshll.u32 s12, $0x11;
	s16 =	sand.u32 $0x3C00, s16  }
0x10: {  	[tilespmem:s15+$0x810 ss:$0x81] =	vst.msk $0xffff, v2;
	s31 =	sand.u32 $0x7, s13;
	s16 =	sor.u32 s17, s16;
	s17 =	sadd.s32 s3, s30  }
0x11: {  	[tilespmem:s15+$0x1020 ss:$0x81] =	vst.msk $0xffff, v0;
	s13 =	sshll.u32 s31, $0x12;
	s12 =	sadd.s32 s12, s17;
	s16 =	sshrl.u32 s16, $0x3  }
0x12: {  	[tilespmem:s15+$0x0 ss:$0x81] =	vst.msk $0xffff, v1;
	s13 =	sor.u32 $0x400, s13;
	s12 =	sadd.s32 s16, s12  }
0x13: {  	[hbm4b:s12+s13] =	stream.strided.scatter [tilespmem:s14], [sflag:$0x2], $0x2000, s8, s13, $0x20;
	[tilespmem:$0x8080] =	vst v63  }
.LBB1_5:
0x14: {  	s14 =	sadd.s32 $0x1, s9  }
0x15: {  	s12 =	sadd.s32 $0x1000, s10;
	s16 =	smov.u32 s10;
	p2 =	sgt.s32 s14, $0x31  }
0x16: {  	s16 =	smov.u32 @p2 s12  }
0x17: {  	s14 =	simm.s32 @p2 $0x0;
	p2 =	sgt.s32 s16, $0x3FFF  }
0x18: {  	s16 =	smov.u32 @p2 s2;
	p2 =	sne.s32 s11, s7  }
.Ltmp1:
0x19: {  	p1 =	slt.u32 s11, $0x2;
	(pc) =	sbr.rel @!p2 .LBB1_6-.Ltmp1, $4  }
0x1a: {  	s15 =	simm.s32 @!p1 $0x2  }
0x1b: {  	s13 =	smov.u32 s10;
	p0 =	por !p0, !p0;
	_ =	swait.ge @!p1 [sflag:s15], $0x2000  }
0x1c: {  	s12 =	smov.u32 s9;
	[sflag:s15] =	ssyncset.done @!p1 $0x0;
	s9 =	smov.u32 s14  }
0x1d: {  	s11 =	sadd.s32 $0x1, s11;
	[sflag:s15] =	ssyncadd.s32 @!p1 $0xFFFFE000;
	s10 =	smov.u32 s16  }
.LBB1_1:
0x1e: {  	p1 =	sge.u32 s11, s5  }
0x1f: {  	s14 =	sand.u32 @!p1 $0x1FFFFFF, s9  }
0x20: {  	s15 =	smulhi.u32 @!p1 $0x4924925, s14;
	_ =	sdelay $0x1  }
0x21: {  	s15 =	smul.u32 @!p1 $0x38, s15  }
0x22: {  	s16 =	sxor.u32 @!p1 $0xFFFFFFFF, s11;
	s17 =	smul.u32 @!p1 $0x380, s10  }
0x23: {  	s31 =	sadd.s32 $0xFFFFFFFF, s11;
	s16 =	sshll.u32 @!p1 s16, $0xD;
	s14 =	ssub.s32 @!p1 s14, s15  }
0x24: {  	s15 =	sand.u32 @!p1 $0x2000, s16;
	s16 =	sadd.s32 @!p1 s6, s17;
	s14 =	sshll.u32 @!p1 s14, $0x4  }
0x25: {  	s17 =	simm.s32 @!p1 $0x1C00;
	s14 =	sadd.s32 @!p1 s14, s16;
	s16 =	simm.s32 @!p1 $0x40  }
0x26: {  	[tilespmem:s15], [sflag:$0x1] =	stream.strided.gather @!p1 [hbm4b:s14+s16], $0x2000, s17, s16, $0x38;
	[tilespmem:$0x8080] =	vst v63  }
0x27: {  	p1 =	sge.u32 s31, s5  }
.Ltmp2:
0x28: {  	_ = 	snop;
	(pc) =	sbr.rel @p1 .LBB1_5-.Ltmp2, $1  }
0x29: {  	_ =	sdelay $0x3  }
0x2a: {  	s14 =	simm.s32 $0x1  }
0x2b: {  	_ =	swait.ge [sflag:s4], $0x2000;
	s14 =	simm.s32 @!p0 $0x0  }
0x2c: {  	[sflag:s4] =	ssyncset.done $0x0;
	s15 =	sshll.u32 s14, $0xD  }
0x2d: {  	[sflag:s4] =	ssyncadd.s32 $0xFFFFE000;
	s18 =	sor.u32 $0x20, s15  }
0x2e: {  	s14 =	smul.u32 $0x8100, s14;
	v3 =	vld [tilespmem:s18+$0x10]  }
0x2f: {  	s30 =	sand.u32 $0x1, s11;
	v2 =	vld [tilespmem:s18+$0xFFFFFFF0]  }
0x30: {  	s15 =	smul.u32 $0x8100, s30;
	s14 =	sshrl.u32 s14, $0x2;
	v0 =	vld [tilespmem:s18+$0x0]  }
0x31: {  	v1 =	vld [tilespmem:s18+$0xFFFFFFE0];
	s16 =	sor.u32 $0x4000, s14  }
0x32: {  	s31 =	sshrl.u32 s15, $0x2;
	s15 =	sadd.s32 $0x0, s16  }
0x33: {  	s17 =	simm.s32 $0x4;
	s18 =	sadd.s32 $0x40, s18;
	s14 =	sor.u32 $0x4000, s31;
	[tilespmem:s15+$0x1830 ss:$0x81] =	vst.msk $0xffff, v3  }
.LBB1_3:
0x34: {  	v3 =	vld [tilespmem:s18+$0x10];
	p1 =	sne.s32 s17, $0x1FC;
	[tilespmem:s15+$0x810 ss:$0x81] =	vst.msk $0xffff, v2;
	s19 =	smov.u32 s17;
	s17 =	sadd.s32 $0x4, s17  }
.Ltmp3:
0x35: {  	v2 =	vld [tilespmem:s18+$0xFFFFFFF0];
	[tilespmem:s15+$0x1020 ss:$0x81] =	vst.msk $0xffff, v0;
	(pc) =	sbr.rel @p1 .LBB1_3-.Ltmp3, $4  }
0x36: {  	v0 =	vld [tilespmem:s18+$0x0];
	[tilespmem:s15+$0x0 ss:$0x81] =	vst.msk $0xffff, v1  }
0x37: {  	s15 =	sshra.s32 s19, $0x2;
	v1 =	vld [tilespmem:s18+$0xFFFFFFE0]  }
0x38: {  	s15 =	sadd.s32 s15, s16  }
0x39: {  	s18 =	sadd.s32 $0x40, s18;
	[tilespmem:s15+$0x1830 ss:$0x81] =	vst.msk $0xffff, v3  }
.Ltmp4:
0x3a: {  	_ = 	snop;
	(pc) =	sbr.rel .LBB1_4-.Ltmp4, $1  }
0x3b: {  	_ =	sdelay $0x3  }
.LBB1_6:
0x3c: {  	_ =	sfence.sel $0x180000  }
0x3d: {  	s2 =	simm.s32 $0x1;
	[bflag:$0x0] =	sbarrier.arrive $0xFFFF  }
0x3e: {  	s31 =	simm.s32 $0x2;
	[sflag:s2] =	ssyncpa.u1 $0x1  }
0x3f: {  	[sflag:s31] =	ssyncpa.u1 $0x1  }
0x40: {  	p0 =	sne.s32 s0, $0x0;
	_ =	strace $0x9000004A  }
0x41: {  	s0 =	sadd.s32 @!p0 $0x100000, s1;
	[bflag:$0x2] =	sbarrier.arrive $0xFFFF  }
0x42: {  	[sflag:s0] =	ssyncadd.tile.s32 @!p0 $0x1;
	_ =	shalt  }
.Lfunc_end1:
_tile_overlayer_lowered:
.L_overlay_start_2:
0x43: {  	(tag) =	ssettag $0x2  }
0x44: {  	s0 =	rddreg [dreg:$0x0];
	s2 =	stileid.u32  }
0x45: {  	s1 =	rddreg [dreg:$0x1];
	p0 =	sne.s32 s2, $0x0  }
0x46: {  	s3 =	rddreg [dreg:$0x2];
	[bflag:$0x3] =	sbarrier.arrive $0xFFFF;
	s2 =	simm.s32 @!p0 $0x1C01  }
0x47: {  	[timem:s3], [sflag:s2] =	dma.local @!p0 [hbm:s0], s1  }
0x48: {  	s0 =	simm.s32 @!p0 $0x1  }
0x49: {  	_ =	swait.ge @!p0 [sflag:s0], s1  }
0x4a: {  	s1 =	ssub.s32 @!p0 $0x0, s1;
	[sflag:s0] =	ssyncset.done @!p0 $0x0  }
0x4b: {  	[sflag:s0] =	ssyncadd.s32 @!p0 s1  }
0x4c: {  	[bflag:$0x3] =	sbarrier.arrive $0xFFFF  }
0x4d: {  	_ =	shalt  }

</sc_bundles>
